<compile_context>
chip_gen: v7x
topology: tpu7x:2x2x1
jax: 0.10.2.dev20260603
libtpu: 0.0.44.dev20260713+nightly
codegen_flags: <defaults>
</compile_context>

<pallas_src>
import dataclasses
import functools

import jax
import jax.numpy as jnp
from jax import lax
from jax.experimental import pallas as pl
from jax.experimental.pallas import tpu as pltpu
from jax.experimental.pallas import tpu_sc as plsc

_TOP = 4
_NP = 256
_NEG = -3.0e38


def _tc_body(n_real, x0_ref, x1_ref, pc_ref, w0_ref, w1_ref, wp_ref, out_ref):
    bB = x0_ref.shape[0]
    inv_n = jnp.float32(1.0) / jnp.float32(n_real)

    p0 = jnp.sum(x0_ref[...], axis=1) * inv_n
    p1 = jnp.sum(x1_ref[...], axis=1) * inv_n
    pp = jnp.sum(pc_ref[...], axis=1, keepdims=True) * inv_n

    logits = jnp.dot(p0.astype(jnp.bfloat16),
                     w0_ref[...].astype(jnp.bfloat16),
                     preferred_element_type=jnp.float32)
    logits = logits + jnp.dot(p1.astype(jnp.bfloat16),
                              w1_ref[...].astype(jnp.bfloat16),
                              preferred_element_type=jnp.float32)
    wp = wp_ref[0:1, :].astype(jnp.bfloat16).astype(jnp.float32)
    logits = logits + pp.astype(jnp.bfloat16).astype(jnp.float32) * wp

    j = lax.broadcasted_iota(jnp.int32, logits.shape, 1)
    logits = jnp.where((j & (_NP - 1)) < n_real, logits, jnp.float32(_NEG))

    lanes = lax.broadcasted_iota(jnp.int32, (bB, 128), 1)
    buf = jnp.zeros((bB, 128), jnp.int32)
    for t in range(_TOP):
        pol = logits[:, t * _NP:(t + 1) * _NP]
        m = jnp.max(pol, axis=1, keepdims=True)
        pj = lax.broadcasted_iota(jnp.int32, pol.shape, 1)
        idx = jnp.min(jnp.where(pol == m, pj, _NP), axis=1, keepdims=True)
        buf = jnp.where(lanes == t, idx, buf)
    out_ref[...] = buf


def _tc_sample_indices(x0, x1, pctr_p, W0, W1, wp8, bB):
    B, N, D = x0.shape
    T = _TOP
    return pl.pallas_call(
        functools.partial(_tc_body, N),
        grid=(B // bB,),
        in_specs=[
            pl.BlockSpec((bB, N, D), lambda i: (i, 0, 0)),
            pl.BlockSpec((bB, N, D), lambda i: (i, 0, 0)),
            pl.BlockSpec((bB, _NP), lambda i: (i, 0)),
            pl.BlockSpec((D, T * _NP), lambda i: (0, 0)),
            pl.BlockSpec((D, T * _NP), lambda i: (0, 0)),
            pl.BlockSpec((8, T * _NP), lambda i: (0, 0)),
        ],
        out_specs=pl.BlockSpec((bB, 128), lambda i: (i, 0)),
        out_shape=jax.ShapeDtypeStruct((B, 128), jnp.int32),
    )(x0, x1, pctr_p, W0, W1, wp8)


def _sc_gather(pctr_p, idxpad, B):
    n_inst = 16
    rows_per = B // n_inst
    per = rows_per * _TOP
    npad = pctr_p.shape[1]
    mesh = plsc.VectorSubcoreMesh(core_axis_name="c", subcore_axis_name="s",
                                  num_cores=1)
    cp = pltpu.CompilerParams()
    if "needs_layout_passes" in pltpu.CompilerParams.__dataclass_fields__:
        cp = dataclasses.replace(cp, needs_layout_passes=False)

    @pl.kernel(out_type=jax.ShapeDtypeStruct((n_inst, per), jnp.float32),
               mesh=mesh, compiler_params=cp,
               scratch_types=[
                   pltpu.VMEM((rows_per, npad), jnp.float32),
                   pltpu.VMEM((rows_per, 128), jnp.int32),
                   pltpu.VMEM((1, per), jnp.float32),
                   pltpu.SemaphoreType.DMA,
                   pltpu.SemaphoreType.DMA,
               ])
    def gather_kernel(pctr_hbm, idx_hbm, o_hbm, pc_vmem, idx_vmem, out_vmem,
                      sem0, sem1):
        c = lax.axis_index("c")
        s = lax.axis_index("s")
        inst = c * 16 + s
        cp0 = pltpu.async_copy(
            pctr_hbm.at[pl.ds(inst * rows_per, rows_per)], pc_vmem, sem0)
        cp1 = pltpu.async_copy(
            idx_hbm.at[pl.ds(inst * rows_per, rows_per)], idx_vmem, sem1)
        cp0.wait()
        cp1.wait()
        for chunk in range(per // 16):
            p = chunk * 16 + lax.iota(jnp.int32, 16)
            row = lax.shift_right_logical(p, 2)
            tlane = lax.bitwise_and(p, 3)
            col = plsc.load_gather(idx_vmem, [row, tlane])
            vals = plsc.load_gather(pc_vmem, [row, col])
            out_vmem[0, pl.ds(chunk * 16, 16)] = vals
        pltpu.async_copy(out_vmem, o_hbm.at[pl.ds(inst, 1)], sem0).wait()

    return gather_kernel(pctr_p, idxpad)


def kernel(x0, x1, pctr, W_gen):
    B, N, D = x0.shape
    T = _TOP

    Wr = W_gen.reshape(2 * D + 1, T, N + 1)[:, :, :N]
    Wf = jnp.pad(Wr, ((0, 0), (0, 0), (0, _NP - N))).reshape(2 * D + 1, T * _NP)
    W0 = Wf[:D]
    W1 = Wf[D:2 * D]
    wp8 = jnp.pad(Wf[2 * D][None, :], ((0, 7), (0, 0)))
    pctr_p = jnp.pad(pctr, ((0, 0), (0, _NP - N)))

    idxpad = _tc_sample_indices(x0, x1, pctr_p, W0, W1, wp8, bB=64)
    return _sc_gather(pctr_p, idxpad, B).reshape(B, T)

# --- scband reference (transcript-rebuilt; emitter-appended) ---
"""Pipeline reference for scband-eval-generator-pipe-2559800508991 (READ-ONLY COPY).

The authoritative reference and input builder live on the scoring server;
editing this copy changes nothing except your own understanding.
"""

import jax, jax.numpy as jnp
import numpy as np

TOP_LENGTH = 4
B, N, D = 1024, 200, 128

def setup_inputs(seed: int = 0) -> dict:
    key = jax.random.key(seed)
    k0, k1, k2, k3 = jax.random.split(key, 4)
    x0 = jax.random.normal(k0, (B, N, D), dtype=jnp.float32)
    x1 = jax.random.normal(k1, (B, N, D), dtype=jnp.float32)
    pctr = jax.random.uniform(k2, (B, N), dtype=jnp.float32)
    # generator stand-in: linear head producing policy logits [B, TOP_LENGTH, N+1]
    W_gen = jax.random.normal(k3, (2 * D + 1, TOP_LENGTH * (N + 1)), dtype=jnp.float32) * 0.02
    return {"x0": x0, "x1": x1, "pctr": pctr, "W_gen": W_gen}

def reference(x0, x1, pctr, W_gen):
    Bb = x0.shape[0]
    # --- generator(inputs): pooled features -> policy logits ---
    feats = jnp.concatenate([x0, x1, pctr[..., None]], axis=-1)   # [B, N, 2D+1]
    pooled = jnp.mean(feats, axis=1)                              # [B, 2D+1]
    logits = pooled @ W_gen                                       # [B, T*(N+1)]
    policy = logits.reshape(Bb, TOP_LENGTH, N + 1)[:, :, :-1]     # drop last col -> [B, T, N]
    # --- sample_tools.sample_max: greedy argmax sampling over candidates ---
    sample_indexes = jnp.argmax(policy, axis=-1)                  # [B, T] int
    # --- gather_nd equivalent: per-row gather of each input feature ---
    g0 = jnp.take_along_axis(x0, sample_indexes[:, :, None], axis=1)   # [B, T, D]
    g1 = jnp.take_along_axis(x1, sample_indexes[:, :, None], axis=1)   # [B, T, D]
    gp = jnp.take_along_axis(pctr, sample_indexes, axis=1)             # [B, T]
    evaluator_features = [g0, g1, gp]
    # --- Evaluator_base.call: return last feature (pctr); no sigmoid since base ---
    pctrs = evaluator_features[-1]
    return pctrs.reshape(Bb, TOP_LENGTH)

if __name__ == "__main__":
    import jax
    _d = setup_inputs()
    print(jax.jit(kernel)(*tuple(_d.values())))

</pallas_src>

<mosaic_0001>
#map = affine_map<(d0, d1) -> (0, 0)>
module attributes {stable_mosaic.version = 14 : i64} {
  func.func @gather_kernel(%arg0: i32, %arg1: i32, %arg2: memref<1024x256xf32, #tpu.memory_space<hbm>>, %arg3: memref<1024x128xi32, #tpu.memory_space<hbm>>, %arg4: memref<16x256xf32, #tpu.memory_space<hbm>>, %arg5: memref<64x256xf32, #tpu.memory_space<vmem>>, %arg6: memref<64x128xi32, #tpu.memory_space<vmem>>, %arg7: memref<1x256xf32, #tpu.memory_space<vmem>>, %arg8: memref<!tpu.dma_semaphore, #tpu.memory_space<semaphore_mem>>, %arg9: memref<!tpu.dma_semaphore, #tpu.memory_space<semaphore_mem>>) attributes {dimension_semantics = [#tpu.dimension_semantics<core_parallel>, #tpu.dimension_semantics<subcore_parallel>], iteration_bounds = array<i64: 1, 16>, scalar_prefetch = 0 : i64, scratch_operands = 5 : i64, tpu.core_type = #tpu.core_type<sc_vector_subcore>, window_params = [{transform_indices = #map}, {transform_indices = #map}, {transform_indices = #map}]} {
    %mul3A = arith.constant 16 : i32
    %mul3A_0 = arith.muli %arg0, %mul3A : i32
    %add3A = arith.addi %mul3A_0, %arg1 : i32
    %mul3A_1 = arith.constant 64 : i32
    %mul3A_2 = arith.muli %add3A, %mul3A_1 : i32
    %dma_start3A = arith.constant 0 : i32
    %dma_start3A_3 = tpu.memref_slice %arg2[%mul3A_2, %dma_start3A] : memref<1024x256xf32, #tpu.memory_space<hbm>> -> memref<64x256xf32, #tpu.memory_space<hbm>>
    %dma_start3A_4 = arith.constant 0 : i32
    %dma_start3A_5 = tpu.memref_slice %arg2[%mul3A_2, %dma_start3A_4] : memref<1024x256xf32, #tpu.memory_space<hbm>> -> memref<64x256xf32, #tpu.memory_space<hbm>>
    tpu.enqueue_dma source(%dma_start3A_5 : memref<64x256xf32, #tpu.memory_space<hbm>>) target(%arg5 : memref<64x256xf32, #tpu.memory_space<vmem>>) target_semaphore(%arg8 : memref<!tpu.dma_semaphore, #tpu.memory_space<semaphore_mem>>)
    %mul3A_6 = arith.constant 64 : i32
    %mul3A_7 = arith.muli %add3A, %mul3A_6 : i32
    %dma_start3A_8 = arith.constant 0 : i32
    %dma_start3A_9 = tpu.memref_slice %arg3[%mul3A_7, %dma_start3A_8] : memref<1024x128xi32, #tpu.memory_space<hbm>> -> memref<64x128xi32, #tpu.memory_space<hbm>>
    %dma_start3A_10 = arith.constant 0 : i32
    %dma_start3A_11 = tpu.memref_slice %arg3[%mul3A_7, %dma_start3A_10] : memref<1024x128xi32, #tpu.memory_space<hbm>> -> memref<64x128xi32, #tpu.memory_space<hbm>>
    tpu.enqueue_dma source(%dma_start3A_11 : memref<64x128xi32, #tpu.memory_space<hbm>>) target(%arg6 : memref<64x128xi32, #tpu.memory_space<vmem>>) target_semaphore(%arg9 : memref<!tpu.dma_semaphore, #tpu.memory_space<semaphore_mem>>)
    %dma_wait3A = arith.constant 0 : i32
    %dma_wait3A_12 = tpu.memref_slice %arg2[%mul3A_2, %dma_wait3A] : memref<1024x256xf32, #tpu.memory_space<hbm>> -> memref<64x256xf32, #tpu.memory_space<hbm>>
    %dma_wait3A_13 = arith.constant 0 : i32
    %dma_wait3A_14 = tpu.memref_slice %arg2[%mul3A_2, %dma_wait3A_13] : memref<1024x256xf32, #tpu.memory_space<hbm>> -> memref<64x256xf32, #tpu.memory_space<hbm>>
    tpu.wait_dma2 semaphore(%arg8 : memref<!tpu.dma_semaphore, #tpu.memory_space<semaphore_mem>>) src(%dma_wait3A_14 : memref<64x256xf32, #tpu.memory_space<hbm>>) dst(%arg5 : memref<64x256xf32, #tpu.memory_space<vmem>>)
    %dma_wait3A_15 = arith.constant 0 : i32
    %dma_wait3A_16 = tpu.memref_slice %arg3[%mul3A_7, %dma_wait3A_15] : memref<1024x128xi32, #tpu.memory_space<hbm>> -> memref<64x128xi32, #tpu.memory_space<hbm>>
    %dma_wait3A_17 = arith.constant 0 : i32
    %dma_wait3A_18 = tpu.memref_slice %arg3[%mul3A_7, %dma_wait3A_17] : memref<1024x128xi32, #tpu.memory_space<hbm>> -> memref<64x128xi32, #tpu.memory_space<hbm>>
    tpu.wait_dma2 semaphore(%arg9 : memref<!tpu.dma_semaphore, #tpu.memory_space<semaphore_mem>>) src(%dma_wait3A_18 : memref<64x128xi32, #tpu.memory_space<hbm>>) dst(%arg6 : memref<64x128xi32, #tpu.memory_space<vmem>>)
    %iota3A = tpu.iota {dimensions = array<i32: 0>} : vector<16xi32>
    %add3A_19 = arith.constant 0 : i32
    %add3A_20 = vector.broadcast %add3A_19 : i32 to vector<16xi32>
    %add3A_21 = arith.addi %add3A_20, %iota3A : vector<16xi32>
    %shift_right_logical3A = arith.constant 2 : i32
    %shift_right_logical3A_22 = vector.broadcast %shift_right_logical3A : i32 to vector<16xi32>
    %shift_right_logical3A_23 = arith.shrui %add3A_21, %shift_right_logical3A_22 : vector<16xi32>
    %and3A = arith.constant 3 : i32
    %and3A_24 = vector.broadcast %and3A : i32 to vector<16xi32>
    %and3A_25 = arith.andi %add3A_21, %and3A_24 : vector<16xi32>
    %gather3A = tpu.vector_load_idx %arg6[%shift_right_logical3A_23, %and3A_25] : memref<64x128xi32, #tpu.memory_space<vmem>>[vector<16xi32>, vector<16xi32>], vector<16xi32>,
    %gather3A_26 = tpu.vector_load_idx %arg5[%shift_right_logical3A_23, %gather3A] : memref<64x256xf32, #tpu.memory_space<vmem>>[vector<16xi32>, vector<16xi32>], vector<16xf32>,
    %swap3A = arith.constant 0 : i32
    %swap3A_27 = arith.index_cast %swap3A : i32 to index
    %swap3A_28 = arith.constant 0 : index
    %swap3A_29 = tpu.vector_load %arg7[%swap3A_27, %swap3A_28] {strides = array<i32>} : memref<1x256xf32, #tpu.memory_space<vmem>>, vector<16xf32>,
    tpu.vector_store %arg7[%swap3A_27, %swap3A_28], %gather3A_26 {strides = array<i32>} : memref<1x256xf32, #tpu.memory_space<vmem>>, vector<16xf32>,
    %iota3A_30 = tpu.iota {dimensions = array<i32: 0>} : vector<16xi32>
    %add3A_31 = arith.constant 16 : i32
    %add3A_32 = vector.broadcast %add3A_31 : i32 to vector<16xi32>
    %add3A_33 = arith.addi %add3A_32, %iota3A_30 : vector<16xi32>
    %shift_right_logical3A_34 = arith.constant 2 : i32
    %shift_right_logical3A_35 = vector.broadcast %shift_right_logical3A_34 : i32 to vector<16xi32>
    %shift_right_logical3A_36 = arith.shrui %add3A_33, %shift_right_logical3A_35 : vector<16xi32>
    %and3A_37 = arith.constant 3 : i32
    %and3A_38 = vector.broadcast %and3A_37 : i32 to vector<16xi32>
    %and3A_39 = arith.andi %add3A_33, %and3A_38 : vector<16xi32>
    %gather3A_40 = tpu.vector_load_idx %arg6[%shift_right_logical3A_36, %and3A_39] : memref<64x128xi32, #tpu.memory_space<vmem>>[vector<16xi32>, vector<16xi32>], vector<16xi32>,
    %gather3A_41 = tpu.vector_load_idx %arg5[%shift_right_logical3A_36, %gather3A_40] : memref<64x256xf32, #tpu.memory_space<vmem>>[vector<16xi32>, vector<16xi32>], vector<16xf32>,
    %swap3A_42 = arith.constant 0 : i32
    %swap3A_43 = arith.index_cast %swap3A_42 : i32 to index
    %swap3A_44 = arith.constant 16 : index
    %swap3A_45 = tpu.vector_load %arg7[%swap3A_43, %swap3A_44] {strides = array<i32>} : memref<1x256xf32, #tpu.memory_space<vmem>>, vector<16xf32>,
    tpu.vector_store %arg7[%swap3A_43, %swap3A_44], %gather3A_41 {strides = array<i32>} : memref<1x256xf32, #tpu.memory_space<vmem>>, vector<16xf32>,
    %iota3A_46 = tpu.iota {dimensions = array<i32: 0>} : vector<16xi32>
    %add3A_47 = arith.constant 32 : i32
    %add3A_48 = vector.broadcast %add3A_47 : i32 to vector<16xi32>
    %add3A_49 = arith.addi %add3A_48, %iota3A_46 : vector<16xi32>
    %shift_right_logical3A_50 = arith.constant 2 : i32
    %shift_right_logical3A_51 = vector.broadcast %shift_right_logical3A_50 : i32 to vector<16xi32>
    %shift_right_logical3A_52 = arith.shrui %add3A_49, %shift_right_logical3A_51 : vector<16xi32>
    %and3A_53 = arith.constant 3 : i32
    %and3A_54 = vector.broadcast %and3A_53 : i32 to vector<16xi32>
    %and3A_55 = arith.andi %add3A_49, %and3A_54 : vector<16xi32>
    %gather3A_56 = tpu.vector_load_idx %arg6[%shift_right_logical3A_52, %and3A_55] : memref<64x128xi32, #tpu.memory_space<vmem>>[vector<16xi32>, vector<16xi32>], vector<16xi32>,
    %gather3A_57 = tpu.vector_load_idx %arg5[%shift_right_logical3A_52, %gather3A_56] : memref<64x256xf32, #tpu.memory_space<vmem>>[vector<16xi32>, vector<16xi32>], vector<16xf32>,
    %swap3A_58 = arith.constant 0 : i32
    %swap3A_59 = arith.index_cast %swap3A_58 : i32 to index
    %swap3A_60 = arith.constant 32 : index
    %swap3A_61 = tpu.vector_load %arg7[%swap3A_59, %swap3A_60] {strides = array<i32>} : memref<1x256xf32, #tpu.memory_space<vmem>>, vector<16xf32>,
    tpu.vector_store %arg7[%swap3A_59, %swap3A_60], %gather3A_57 {strides = array<i32>} : memref<1x256xf32, #tpu.memory_space<vmem>>, vector<16xf32>,
    %iota3A_62 = tpu.iota {dimensions = array<i32: 0>} : vector<16xi32>
    %add3A_63 = arith.constant 48 : i32
    %add3A_64 = vector.broadcast %add3A_63 : i32 to vector<16xi32>
    %add3A_65 = arith.addi %add3A_64, %iota3A_62 : vector<16xi32>
    %shift_right_logical3A_66 = arith.constant 2 : i32
    %shift_right_logical3A_67 = vector.broadcast %shift_right_logical3A_66 : i32 to vector<16xi32>
    %shift_right_logical3A_68 = arith.shrui %add3A_65, %shift_right_logical3A_67 : vector<16xi32>
    %and3A_69 = arith.constant 3 : i32
    %and3A_70 = vector.broadcast %and3A_69 : i32 to vector<16xi32>
    %and3A_71 = arith.andi %add3A_65, %and3A_70 : vector<16xi32>
    %gather3A_72 = tpu.vector_load_idx %arg6[%shift_right_logical3A_68, %and3A_71] : memref<64x128xi32, #tpu.memory_space<vmem>>[vector<16xi32>, vector<16xi32>], vector<16xi32>,
    %gather3A_73 = tpu.vector_load_idx %arg5[%shift_right_logical3A_68, %gather3A_72] : memref<64x256xf32, #tpu.memory_space<vmem>>[vector<16xi32>, vector<16xi32>], vector<16xf32>,
    %swap3A_74 = arith.constant 0 : i32
    %swap3A_75 = arith.index_cast %swap3A_74 : i32 to index
    %swap3A_76 = arith.constant 48 : index
    %swap3A_77 = tpu.vector_load %arg7[%swap3A_75, %swap3A_76] {strides = array<i32>} : memref<1x256xf32, #tpu.memory_space<vmem>>, vector<16xf32>,
    tpu.vector_store %arg7[%swap3A_75, %swap3A_76], %gather3A_73 {strides = array<i32>} : memref<1x256xf32, #tpu.memory_space<vmem>>, vector<16xf32>,
    %iota3A_78 = tpu.iota {dimensions = array<i32: 0>} : vector<16xi32>
    %add3A_79 = arith.constant 64 : i32
    %add3A_80 = vector.broadcast %add3A_79 : i32 to vector<16xi32>
    %add3A_81 = arith.addi %add3A_80, %iota3A_78 : vector<16xi32>
    %shift_right_logical3A_82 = arith.constant 2 : i32
    %shift_right_logical3A_83 = vector.broadcast %shift_right_logical3A_82 : i32 to vector<16xi32>
    %shift_right_logical3A_84 = arith.shrui %add3A_81, %shift_right_logical3A_83 : vector<16xi32>
    %and3A_85 = arith.constant 3 : i32
    %and3A_86 = vector.broadcast %and3A_85 : i32 to vector<16xi32>
    %and3A_87 = arith.andi %add3A_81, %and3A_86 : vector<16xi32>
    %gather3A_88 = tpu.vector_load_idx %arg6[%shift_right_logical3A_84, %and3A_87] : memref<64x128xi32, #tpu.memory_space<vmem>>[vector<16xi32>, vector<16xi32>], vector<16xi32>,
    %gather3A_89 = tpu.vector_load_idx %arg5[%shift_right_logical3A_84, %gather3A_88] : memref<64x256xf32, #tpu.memory_space<vmem>>[vector<16xi32>, vector<16xi32>], vector<16xf32>,
    %swap3A_90 = arith.constant 0 : i32
    %swap3A_91 = arith.index_cast %swap3A_90 : i32 to index
    %swap3A_92 = arith.constant 64 : index
    %swap3A_93 = tpu.vector_load %arg7[%swap3A_91, %swap3A_92] {strides = array<i32>} : memref<1x256xf32, #tpu.memory_space<vmem>>, vector<16xf32>,
    tpu.vector_store %arg7[%swap3A_91, %swap3A_92], %gather3A_89 {strides = array<i32>} : memref<1x256xf32, #tpu.memory_space<vmem>>, vector<16xf32>,
    %iota3A_94 = tpu.iota {dimensions = array<i32: 0>} : vector<16xi32>
    %add3A_95 = arith.constant 80 : i32
    %add3A_96 = vector.broadcast %add3A_95 : i32 to vector<16xi32>
    %add3A_97 = arith.addi %add3A_96, %iota3A_94 : vector<16xi32>
    %shift_right_logical3A_98 = arith.constant 2 : i32
    %shift_right_logical3A_99 = vector.broadcast %shift_right_logical3A_98 : i32 to vector<16xi32>
    %shift_right_logical3A_100 = arith.shrui %add3A_97, %shift_right_logical3A_99 : vector<16xi32>
    %and3A_101 = arith.constant 3 : i32
    %and3A_102 = vector.broadcast %and3A_101 : i32 to vector<16xi32>
    %and3A_103 = arith.andi %add3A_97, %and3A_102 : vector<16xi32>
    %gather3A_104 = tpu.vector_load_idx %arg6[%shift_right_logical3A_100, %and3A_103] : memref<64x128xi32, #tpu.memory_space<vmem>>[vector<16xi32>, vector<16xi32>], vector<16xi32>,
    %gather3A_105 = tpu.vector_load_idx %arg5[%shift_right_logical3A_100, %gather3A_104] : memref<64x256xf32, #tpu.memory_space<vmem>>[vector<16xi32>, vector<16xi32>], vector<16xf32>,
    %swap3A_106 = arith.constant 0 : i32
    %swap3A_107 = arith.index_cast %swap3A_106 : i32 to index
    %swap3A_108 = arith.constant 80 : index
    %swap3A_109 = tpu.vector_load %arg7[%swap3A_107, %swap3A_108] {strides = array<i32>} : memref<1x256xf32, #tpu.memory_space<vmem>>, vector<16xf32>,
    tpu.vector_store %arg7[%swap3A_107, %swap3A_108], %gather3A_105 {strides = array<i32>} : memref<1x256xf32, #tpu.memory_space<vmem>>, vector<16xf32>,
    %iota3A_110 = tpu.iota {dimensions = array<i32: 0>} : vector<16xi32>
    %add3A_111 = arith.constant 96 : i32
    %add3A_112 = vector.broadcast %add3A_111 : i32 to vector<16xi32>
    %add3A_113 = arith.addi %add3A_112, %iota3A_110 : vector<16xi32>
    %shift_right_logical3A_114 = arith.constant 2 : i32
    %shift_right_logical3A_115 = vector.broadcast %shift_right_logical3A_114 : i32 to vector<16xi32>
    %shift_right_logical3A_116 = arith.shrui %add3A_113, %shift_right_logical3A_115 : vector<16xi32>
    %and3A_117 = arith.constant 3 : i32
    %and3A_118 = vector.broadcast %and3A_117 : i32 to vector<16xi32>
    %and3A_119 = arith.andi %add3A_113, %and3A_118 : vector<16xi32>
    %gather3A_120 = tpu.vector_load_idx %arg6[%shift_right_logical3A_116, %and3A_119] : memref<64x128xi32, #tpu.memory_space<vmem>>[vector<16xi32>, vector<16xi32>], vector<16xi32>,
    %gather3A_121 = tpu.vector_load_idx %arg5[%shift_right_logical3A_116, %gather3A_120] : memref<64x256xf32, #tpu.memory_space<vmem>>[vector<16xi32>, vector<16xi32>], vector<16xf32>,
    %swap3A_122 = arith.constant 0 : i32
    %swap3A_123 = arith.index_cast %swap3A_122 : i32 to index
    %swap3A_124 = arith.constant 96 : index
    %swap3A_125 = tpu.vector_load %arg7[%swap3A_123, %swap3A_124] {strides = array<i32>} : memref<1x256xf32, #tpu.memory_space<vmem>>, vector<16xf32>,
    tpu.vector_store %arg7[%swap3A_123, %swap3A_124], %gather3A_121 {strides = array<i32>} : memref<1x256xf32, #tpu.memory_space<vmem>>, vector<16xf32>,
    %iota3A_126 = tpu.iota {dimensions = array<i32: 0>} : vector<16xi32>
    %add3A_127 = arith.constant 112 : i32
    %add3A_128 = vector.broadcast %add3A_127 : i32 to vector<16xi32>
    %add3A_129 = arith.addi %add3A_128, %iota3A_126 : vector<16xi32>
    %shift_right_logical3A_130 = arith.constant 2 : i32
    %shift_right_logical3A_131 = vector.broadcast %shift_right_logical3A_130 : i32 to vector<16xi32>
    %shift_right_logical3A_132 = arith.shrui %add3A_129, %shift_right_logical3A_131 : vector<16xi32>
    %and3A_133 = arith.constant 3 : i32
    %and3A_134 = vector.broadcast %and3A_133 : i32 to vector<16xi32>
    %and3A_135 = arith.andi %add3A_129, %and3A_134 : vector<16xi32>
    %gather3A_136 = tpu.vector_load_idx %arg6[%shift_right_logical3A_132, %and3A_135] : memref<64x128xi32, #tpu.memory_space<vmem>>[vector<16xi32>, vector<16xi32>], vector<16xi32>,
    %gather3A_137 = tpu.vector_load_idx %arg5[%shift_right_logical3A_132, %gather3A_136] : memref<64x256xf32, #tpu.memory_space<vmem>>[vector<16xi32>, vector<16xi32>], vector<16xf32>,
    %swap3A_138 = arith.constant 0 : i32
    %swap3A_139 = arith.index_cast %swap3A_138 : i32 to index
    %swap3A_140 = arith.constant 112 : index
    %swap3A_141 = tpu.vector_load %arg7[%swap3A_139, %swap3A_140] {strides = array<i32>} : memref<1x256xf32, #tpu.memory_space<vmem>>, vector<16xf32>,
    tpu.vector_store %arg7[%swap3A_139, %swap3A_140], %gather3A_137 {strides = array<i32>} : memref<1x256xf32, #tpu.memory_space<vmem>>, vector<16xf32>,
    %iota3A_142 = tpu.iota {dimensions = array<i32: 0>} : vector<16xi32>
    %add3A_143 = arith.constant 128 : i32
    %add3A_144 = vector.broadcast %add3A_143 : i32 to vector<16xi32>
    %add3A_145 = arith.addi %add3A_144, %iota3A_142 : vector<16xi32>
    %shift_right_logical3A_146 = arith.constant 2 : i32
    %shift_right_logical3A_147 = vector.broadcast %shift_right_logical3A_146 : i32 to vector<16xi32>
    %shift_right_logical3A_148 = arith.shrui %add3A_145, %shift_right_logical3A_147 : vector<16xi32>
    %and3A_149 = arith.constant 3 : i32
    %and3A_150 = vector.broadcast %and3A_149 : i32 to vector<16xi32>
    %and3A_151 = arith.andi %add3A_145, %and3A_150 : vector<16xi32>
    %gather3A_152 = tpu.vector_load_idx %arg6[%shift_right_logical3A_148, %and3A_151] : memref<64x128xi32, #tpu.memory_space<vmem>>[vector<16xi32>, vector<16xi32>], vector<16xi32>,
    %gather3A_153 = tpu.vector_load_idx %arg5[%shift_right_logical3A_148, %gather3A_152] : memref<64x256xf32, #tpu.memory_space<vmem>>[vector<16xi32>, vector<16xi32>], vector<16xf32>,
    %swap3A_154 = arith.constant 0 : i32
    %swap3A_155 = arith.index_cast %swap3A_154 : i32 to index
    %swap3A_156 = arith.constant 128 : index
    %swap3A_157 = tpu.vector_load %arg7[%swap3A_155, %swap3A_156] {strides = array<i32>} : memref<1x256xf32, #tpu.memory_space<vmem>>, vector<16xf32>,
    tpu.vector_store %arg7[%swap3A_155, %swap3A_156], %gather3A_153 {strides = array<i32>} : memref<1x256xf32, #tpu.memory_space<vmem>>, vector<16xf32>,
    %iota3A_158 = tpu.iota {dimensions = array<i32: 0>} : vector<16xi32>
    %add3A_159 = arith.constant 144 : i32
    %add3A_160 = vector.broadcast %add3A_159 : i32 to vector<16xi32>
    %add3A_161 = arith.addi %add3A_160, %iota3A_158 : vector<16xi32>
    %shift_right_logical3A_162 = arith.constant 2 : i32
    %shift_right_logical3A_163 = vector.broadcast %shift_right_logical3A_162 : i32 to vector<16xi32>
    %shift_right_logical3A_164 = arith.shrui %add3A_161, %shift_right_logical3A_163 : vector<16xi32>
    %and3A_165 = arith.constant 3 : i32
    %and3A_166 = vector.broadcast %and3A_165 : i32 to vector<16xi32>
    %and3A_167 = arith.andi %add3A_161, %and3A_166 : vector<16xi32>
    %gather3A_168 = tpu.vector_load_idx %arg6[%shift_right_logical3A_164, %and3A_167] : memref<64x128xi32, #tpu.memory_space<vmem>>[vector<16xi32>, vector<16xi32>], vector<16xi32>,
    %gather3A_169 = tpu.vector_load_idx %arg5[%shift_right_logical3A_164, %gather3A_168] : memref<64x256xf32, #tpu.memory_space<vmem>>[vector<16xi32>, vector<16xi32>], vector<16xf32>,
    %swap3A_170 = arith.constant 0 : i32
    %swap3A_171 = arith.index_cast %swap3A_170 : i32 to index
    %swap3A_172 = arith.constant 144 : index
    %swap3A_173 = tpu.vector_load %arg7[%swap3A_171, %swap3A_172] {strides = array<i32>} : memref<1x256xf32, #tpu.memory_space<vmem>>, vector<16xf32>,
    tpu.vector_store %arg7[%swap3A_171, %swap3A_172], %gather3A_169 {strides = array<i32>} : memref<1x256xf32, #tpu.memory_space<vmem>>, vector<16xf32>,
    %iota3A_174 = tpu.iota {dimensions = array<i32: 0>} : vector<16xi32>
    %add3A_175 = arith.constant 160 : i32
    %add3A_176 = vector.broadcast %add3A_175 : i32 to vector<16xi32>
    %add3A_177 = arith.addi %add3A_176, %iota3A_174 : vector<16xi32>
    %shift_right_logical3A_178 = arith.constant 2 : i32
    %shift_right_logical3A_179 = vector.broadcast %shift_right_logical3A_178 : i32 to vector<16xi32>
    %shift_right_logical3A_180 = arith.shrui %add3A_177, %shift_right_logical3A_179 : vector<16xi32>
    %and3A_181 = arith.constant 3 : i32
    %and3A_182 = vector.broadcast %and3A_181 : i32 to vector<16xi32>
    %and3A_183 = arith.andi %add3A_177, %and3A_182 : vector<16xi32>
    %gather3A_184 = tpu.vector_load_idx %arg6[%shift_right_logical3A_180, %and3A_183] : memref<64x128xi32, #tpu.memory_space<vmem>>[vector<16xi32>, vector<16xi32>], vector<16xi32>,
    %gather3A_185 = tpu.vector_load_idx %arg5[%shift_right_logical3A_180, %gather3A_184] : memref<64x256xf32, #tpu.memory_space<vmem>>[vector<16xi32>, vector<16xi32>], vector<16xf32>,
    %swap3A_186 = arith.constant 0 : i32
    %swap3A_187 = arith.index_cast %swap3A_186 : i32 to index
    %swap3A_188 = arith.constant 160 : index
    %swap3A_189 = tpu.vector_load %arg7[%swap3A_187, %swap3A_188] {strides = array<i32>} : memref<1x256xf32, #tpu.memory_space<vmem>>, vector<16xf32>,
    tpu.vector_store %arg7[%swap3A_187, %swap3A_188], %gather3A_185 {strides = array<i32>} : memref<1x256xf32, #tpu.memory_space<vmem>>, vector<16xf32>,
    %iota3A_190 = tpu.iota {dimensions = array<i32: 0>} : vector<16xi32>
    %add3A_191 = arith.constant 176 : i32
    %add3A_192 = vector.broadcast %add3A_191 : i32 to vector<16xi32>
    %add3A_193 = arith.addi %add3A_192, %iota3A_190 : vector<16xi32>
    %shift_right_logical3A_194 = arith.constant 2 : i32
    %shift_right_logical3A_195 = vector.broadcast %shift_right_logical3A_194 : i32 to vector<16xi32>
    %shift_right_logical3A_196 = arith.shrui %add3A_193, %shift_right_logical3A_195 : vector<16xi32>
    %and3A_197 = arith.constant 3 : i32
    %and3A_198 = vector.broadcast %and3A_197 : i32 to vector<16xi32>
    %and3A_199 = arith.andi %add3A_193, %and3A_198 : vector<16xi32>
    %gather3A_200 = tpu.vector_load_idx %arg6[%shift_right_logical3A_196, %and3A_199] : memref<64x128xi32, #tpu.memory_space<vmem>>[vector<16xi32>, vector<16xi32>], vector<16xi32>,
    %gather3A_201 = tpu.vector_load_idx %arg5[%shift_right_logical3A_196, %gather3A_200] : memref<64x256xf32, #tpu.memory_space<vmem>>[vector<16xi32>, vector<16xi32>], vector<16xf32>,
    %swap3A_202 = arith.constant 0 : i32
    %swap3A_203 = arith.index_cast %swap3A_202 : i32 to index
    %swap3A_204 = arith.constant 176 : index
    %swap3A_205 = tpu.vector_load %arg7[%swap3A_203, %swap3A_204] {strides = array<i32>} : memref<1x256xf32, #tpu.memory_space<vmem>>, vector<16xf32>,
    tpu.vector_store %arg7[%swap3A_203, %swap3A_204], %gather3A_201 {strides = array<i32>} : memref<1x256xf32, #tpu.memory_space<vmem>>, vector<16xf32>,
    %iota3A_206 = tpu.iota {dimensions = array<i32: 0>} : vector<16xi32>
    %add3A_207 = arith.constant 192 : i32
    %add3A_208 = vector.broadcast %add3A_207 : i32 to vector<16xi32>
    %add3A_209 = arith.addi %add3A_208, %iota3A_206 : vector<16xi32>
    %shift_right_logical3A_210 = arith.constant 2 : i32
    %shift_right_logical3A_211 = vector.broadcast %shift_right_logical3A_210 : i32 to vector<16xi32>
    %shift_right_logical3A_212 = arith.shrui %add3A_209, %shift_right_logical3A_211 : vector<16xi32>
    %and3A_213 = arith.constant 3 : i32
    %and3A_214 = vector.broadcast %and3A_213 : i32 to vector<16xi32>
    %and3A_215 = arith.andi %add3A_209, %and3A_214 : vector<16xi32>
    %gather3A_216 = tpu.vector_load_idx %arg6[%shift_right_logical3A_212, %and3A_215] : memref<64x128xi32, #tpu.memory_space<vmem>>[vector<16xi32>, vector<16xi32>], vector<16xi32>,
    %gather3A_217 = tpu.vector_load_idx %arg5[%shift_right_logical3A_212, %gather3A_216] : memref<64x256xf32, #tpu.memory_space<vmem>>[vector<16xi32>, vector<16xi32>], vector<16xf32>,
    %swap3A_218 = arith.constant 0 : i32
    %swap3A_219 = arith.index_cast %swap3A_218 : i32 to index
    %swap3A_220 = arith.constant 192 : index
    %swap3A_221 = tpu.vector_load %arg7[%swap3A_219, %swap3A_220] {strides = array<i32>} : memref<1x256xf32, #tpu.memory_space<vmem>>, vector<16xf32>,
    tpu.vector_store %arg7[%swap3A_219, %swap3A_220], %gather3A_217 {strides = array<i32>} : memref<1x256xf32, #tpu.memory_space<vmem>>, vector<16xf32>,
    %iota3A_222 = tpu.iota {dimensions = array<i32: 0>} : vector<16xi32>
    %add3A_223 = arith.constant 208 : i32
    %add3A_224 = vector.broadcast %add3A_223 : i32 to vector<16xi32>
    %add3A_225 = arith.addi %add3A_224, %iota3A_222 : vector<16xi32>
    %shift_right_logical3A_226 = arith.constant 2 : i32
    %shift_right_logical3A_227 = vector.broadcast %shift_right_logical3A_226 : i32 to vector<16xi32>
    %shift_right_logical3A_228 = arith.shrui %add3A_225, %shift_right_logical3A_227 : vector<16xi32>
    %and3A_229 = arith.constant 3 : i32
    %and3A_230 = vector.broadcast %and3A_229 : i32 to vector<16xi32>
    %and3A_231 = arith.andi %add3A_225, %and3A_230 : vector<16xi32>
    %gather3A_232 = tpu.vector_load_idx %arg6[%shift_right_logical3A_228, %and3A_231] : memref<64x128xi32, #tpu.memory_space<vmem>>[vector<16xi32>, vector<16xi32>], vector<16xi32>,
    %gather3A_233 = tpu.vector_load_idx %arg5[%shift_right_logical3A_228, %gather3A_232] : memref<64x256xf32, #tpu.memory_space<vmem>>[vector<16xi32>, vector<16xi32>], vector<16xf32>,
    %swap3A_234 = arith.constant 0 : i32
    %swap3A_235 = arith.index_cast %swap3A_234 : i32 to index
    %swap3A_236 = arith.constant 208 : index
    %swap3A_237 = tpu.vector_load %arg7[%swap3A_235, %swap3A_236] {strides = array<i32>} : memref<1x256xf32, #tpu.memory_space<vmem>>, vector<16xf32>,
    tpu.vector_store %arg7[%swap3A_235, %swap3A_236], %gather3A_233 {strides = array<i32>} : memref<1x256xf32, #tpu.memory_space<vmem>>, vector<16xf32>,
    %iota3A_238 = tpu.iota {dimensions = array<i32: 0>} : vector<16xi32>
    %add3A_239 = arith.constant 224 : i32
    %add3A_240 = vector.broadcast %add3A_239 : i32 to vector<16xi32>
    %add3A_241 = arith.addi %add3A_240, %iota3A_238 : vector<16xi32>
    %shift_right_logical3A_242 = arith.constant 2 : i32
    %shift_right_logical3A_243 = vector.broadcast %shift_right_logical3A_242 : i32 to vector<16xi32>
    %shift_right_logical3A_244 = arith.shrui %add3A_241, %shift_right_logical3A_243 : vector<16xi32>
    %and3A_245 = arith.constant 3 : i32
    %and3A_246 = vector.broadcast %and3A_245 : i32 to vector<16xi32>
    %and3A_247 = arith.andi %add3A_241, %and3A_246 : vector<16xi32>
    %gather3A_248 = tpu.vector_load_idx %arg6[%shift_right_logical3A_244, %and3A_247] : memref<64x128xi32, #tpu.memory_space<vmem>>[vector<16xi32>, vector<16xi32>], vector<16xi32>,
    %gather3A_249 = tpu.vector_load_idx %arg5[%shift_right_logical3A_244, %gather3A_248] : memref<64x256xf32, #tpu.memory_space<vmem>>[vector<16xi32>, vector<16xi32>], vector<16xf32>,
    %swap3A_250 = arith.constant 0 : i32
    %swap3A_251 = arith.index_cast %swap3A_250 : i32 to index
    %swap3A_252 = arith.constant 224 : index
    %swap3A_253 = tpu.vector_load %arg7[%swap3A_251, %swap3A_252] {strides = array<i32>} : memref<1x256xf32, #tpu.memory_space<vmem>>, vector<16xf32>,
    tpu.vector_store %arg7[%swap3A_251, %swap3A_252], %gather3A_249 {strides = array<i32>} : memref<1x256xf32, #tpu.memory_space<vmem>>, vector<16xf32>,
    %iota3A_254 = tpu.iota {dimensions = array<i32: 0>} : vector<16xi32>
    %add3A_255 = arith.constant 240 : i32
    %add3A_256 = vector.broadcast %add3A_255 : i32 to vector<16xi32>
    %add3A_257 = arith.addi %add3A_256, %iota3A_254 : vector<16xi32>
    %shift_right_logical3A_258 = arith.constant 2 : i32
    %shift_right_logical3A_259 = vector.broadcast %shift_right_logical3A_258 : i32 to vector<16xi32>
    %shift_right_logical3A_260 = arith.shrui %add3A_257, %shift_right_logical3A_259 : vector<16xi32>
    %and3A_261 = arith.constant 3 : i32
    %and3A_262 = vector.broadcast %and3A_261 : i32 to vector<16xi32>
    %and3A_263 = arith.andi %add3A_257, %and3A_262 : vector<16xi32>
    %gather3A_264 = tpu.vector_load_idx %arg6[%shift_right_logical3A_260, %and3A_263] : memref<64x128xi32, #tpu.memory_space<vmem>>[vector<16xi32>, vector<16xi32>], vector<16xi32>,
    %gather3A_265 = tpu.vector_load_idx %arg5[%shift_right_logical3A_260, %gather3A_264] : memref<64x256xf32, #tpu.memory_space<vmem>>[vector<16xi32>, vector<16xi32>], vector<16xf32>,
    %swap3A_266 = arith.constant 0 : i32
    %swap3A_267 = arith.index_cast %swap3A_266 : i32 to index
    %swap3A_268 = arith.constant 240 : index
    %swap3A_269 = tpu.vector_load %arg7[%swap3A_267, %swap3A_268] {strides = array<i32>} : memref<1x256xf32, #tpu.memory_space<vmem>>, vector<16xf32>,
    tpu.vector_store %arg7[%swap3A_267, %swap3A_268], %gather3A_265 {strides = array<i32>} : memref<1x256xf32, #tpu.memory_space<vmem>>, vector<16xf32>,
    %dma_start3A_270 = arith.constant 0 : i32
    %dma_start3A_271 = tpu.memref_slice %arg4[%add3A, %dma_start3A_270] : memref<16x256xf32, #tpu.memory_space<hbm>> -> memref<1x256xf32, #tpu.memory_space<hbm>>
    %dma_start3A_272 = arith.constant 0 : i32
    %dma_start3A_273 = tpu.memref_slice %arg4[%add3A, %dma_start3A_272] : memref<16x256xf32, #tpu.memory_space<hbm>> -> memref<1x256xf32, #tpu.memory_space<hbm>>
    tpu.enqueue_dma source(%arg7 : memref<1x256xf32, #tpu.memory_space<vmem>>) target(%dma_start3A_273 : memref<1x256xf32, #tpu.memory_space<hbm>>) target_semaphore(%arg8 : memref<!tpu.dma_semaphore, #tpu.memory_space<semaphore_mem>>)
    %dma_wait3A_274 = arith.constant 0 : i32
    %dma_wait3A_275 = tpu.memref_slice %arg4[%add3A, %dma_wait3A_274] : memref<16x256xf32, #tpu.memory_space<hbm>> -> memref<1x256xf32, #tpu.memory_space<hbm>>
    %dma_wait3A_276 = arith.constant 0 : i32
    %dma_wait3A_277 = tpu.memref_slice %arg4[%add3A, %dma_wait3A_276] : memref<16x256xf32, #tpu.memory_space<hbm>> -> memref<1x256xf32, #tpu.memory_space<hbm>>
    tpu.wait_dma2 semaphore(%arg8 : memref<!tpu.dma_semaphore, #tpu.memory_space<semaphore_mem>>) src(%arg7 : memref<1x256xf32, #tpu.memory_space<vmem>>) dst(%dma_wait3A_277 : memref<1x256xf32, #tpu.memory_space<hbm>>)
    return
  }
}

module attributes {stable_mosaic.version = 14 : i64} {
  func.func @_tc_body(%arg0: i32, %arg1: memref<64x200x128xf32, #tpu.memory_space<vmem>>, %arg2: memref<64x200x128xf32, #tpu.memory_space<vmem>>, %arg3: memref<64x256xf32, #tpu.memory_space<vmem>>, %arg4: memref<128x1024xf32, #tpu.memory_space<vmem>>, %arg5: memref<128x1024xf32, #tpu.memory_space<vmem>>, %arg6: memref<8x1024xf32, #tpu.memory_space<vmem>>, %arg7: memref<64x128xi32, #tpu.memory_space<vmem>>) attributes {dimension_semantics = [#tpu.dimension_semantics<arbitrary>], iteration_bounds = array<i64: 16>, scalar_prefetch = 0 : i64, scratch_operands = 0 : i64, tpu.core_type = #tpu.core_type<tc>, window_params = [{transform_indices = @transform_0, window_bounds = array<i64: 64, 200, 128>}, {transform_indices = @transform_1, window_bounds = array<i64: 64, 200, 128>}, {transform_indices = @transform_2, window_bounds = array<i64: 64, 256>}, {pipeline_mode = #tpu.pipeline_mode<synchronous>, transform_indices = @transform_3, window_bounds = array<i64: 128, 1024>}, {pipeline_mode = #tpu.pipeline_mode<synchronous>, transform_indices = @transform_4, window_bounds = array<i64: 128, 1024>}, {pipeline_mode = #tpu.pipeline_mode<synchronous>, transform_indices = @transform_5, window_bounds = array<i64: 8, 1024>}, {transform_indices = @transform_6, window_bounds = array<i64: 64, 128>}]} {
    %div3A = arith.constant 1.000000e+00 : f32
    %div3A_0 = arith.constant 2.000000e+02 : f32
    %div3A_1 = arith.divf %div3A, %div3A_0 : f32
    %get3A = arith.constant 0 : index
    %get3A_2 = arith.constant 0 : index
    %get3A_3 = arith.constant 0 : index
    %get3A_4 = vector.load %arg1[%get3A, %get3A_2, %get3A_3] : memref<64x200x128xf32, #tpu.memory_space<vmem>>, vector<64x200x128xf32>
    %reduce_sum3A = arith.constant dense<0.000000e+00> : vector<64x128xf32>
    %reduce_sum3A_5 = vector.multi_reduction <add>, %get3A_4, %reduce_sum3A [1] : vector<64x200x128xf32> to vector<64x128xf32>
    %mul3A = vector.broadcast %div3A_1 : f32 to vector<64x128xf32>
    %mul3A_6 = arith.mulf %reduce_sum3A_5, %mul3A : vector<64x128xf32>
    %get3A_7 = arith.constant 0 : index
    %get3A_8 = arith.constant 0 : index
    %get3A_9 = arith.constant 0 : index
    %get3A_10 = vector.load %arg2[%get3A_7, %get3A_8, %get3A_9] : memref<64x200x128xf32, #tpu.memory_space<vmem>>, vector<64x200x128xf32>
    %reduce_sum3A_11 = arith.constant dense<0.000000e+00> : vector<64x128xf32>
    %reduce_sum3A_12 = vector.multi_reduction <add>, %get3A_10, %reduce_sum3A_11 [1] : vector<64x200x128xf32> to vector<64x128xf32>
    %mul3A_13 = vector.broadcast %div3A_1 : f32 to vector<64x128xf32>
    %mul3A_14 = arith.mulf %reduce_sum3A_12, %mul3A_13 : vector<64x128xf32>
    %get3A_15 = arith.constant 0 : index
    %get3A_16 = arith.constant 0 : index
    %get3A_17 = vector.load %arg3[%get3A_15, %get3A_16] : memref<64x256xf32, #tpu.memory_space<vmem>>, vector<64x256xf32>
    %reduce_sum3A_18 = arith.constant dense<0.000000e+00> : vector<64xf32>
    %reduce_sum3A_19 = vector.multi_reduction <add>, %get3A_17, %reduce_sum3A_18 [1] : vector<64x256xf32> to vector<64xf32>
    %broadcast_in_dim3A = vector.shape_cast %reduce_sum3A_19 : vector<64xf32> to vector<64x1xf32>
    %mul3A_20 = vector.broadcast %div3A_1 : f32 to vector<64x1xf32>
    %mul3A_21 = arith.mulf %broadcast_in_dim3A, %mul3A_20 : vector<64x1xf32>
    %convert_element_type3A = arith.truncf %mul3A_6 : vector<64x128xf32> to vector<64x128xbf16>
    %get3A_22 = arith.constant 0 : index
    %get3A_23 = arith.constant 0 : index
    %get3A_24 = vector.load %arg4[%get3A_22, %get3A_23] : memref<128x1024xf32, #tpu.memory_space<vmem>>, vector<128x1024xf32>
    %convert_element_type3A_25 = arith.truncf %get3A_24 : vector<128x1024xf32> to vector<128x1024xbf16>
    %dot_general3A = arith.constant dense<0.000000e+00> : vector<64x1024xf32>
    %dot_general3A_26 = tpu.matmul %convert_element_type3A, %convert_element_type3A_25, %dot_general3A {dimension_numbers = #tpu.dot_dimension_numbers<[1], [0], [0], [1], [0, 0, 1, 1], [], []>, transpose_lhs_hint = false} : vector<64x128xbf16>, vector<128x1024xbf16>, vector<64x1024xf32> -> vector<64x1024xf32>
    %convert_element_type3A_27 = arith.truncf %mul3A_14 : vector<64x128xf32> to vector<64x128xbf16>
    %get3A_28 = arith.constant 0 : index
    %get3A_29 = arith.constant 0 : index
    %get3A_30 = vector.load %arg5[%get3A_28, %get3A_29] : memref<128x1024xf32, #tpu.memory_space<vmem>>, vector<128x1024xf32>
    %convert_element_type3A_31 = arith.truncf %get3A_30 : vector<128x1024xf32> to vector<128x1024xbf16>
    %dot_general3A_32 = arith.constant dense<0.000000e+00> : vector<64x1024xf32>
    %dot_general3A_33 = tpu.matmul %convert_element_type3A_27, %convert_element_type3A_31, %dot_general3A_32 {dimension_numbers = #tpu.dot_dimension_numbers<[1], [0], [0], [1], [0, 0, 1, 1], [], []>, transpose_lhs_hint = false} : vector<64x128xbf16>, vector<128x1024xbf16>, vector<64x1024xf32> -> vector<64x1024xf32>
    %add3A = arith.addf %dot_general3A_26, %dot_general3A_33 : vector<64x1024xf32>
    %get3A_34 = arith.constant 0 : index
    %get3A_35 = arith.constant 0 : index
    %get3A_36 = vector.load %arg6[%get3A_34, %get3A_35] : memref<8x1024xf32, #tpu.memory_space<vmem>>, vector<1x1024xf32>
    %convert_element_type3A_37 = arith.truncf %get3A_36 : vector<1x1024xf32> to vector<1x1024xbf16>
    %convert_element_type3A_38 = arith.extf %convert_element_type3A_37 : vector<1x1024xbf16> to vector<1x1024xf32>
    %convert_element_type3A_39 = arith.truncf %mul3A_21 : vector<64x1xf32> to vector<64x1xbf16>
    %convert_element_type3A_40 = arith.extf %convert_element_type3A_39 : vector<64x1xbf16> to vector<64x1xf32>
    %mul3A_41 = vector.broadcast %convert_element_type3A_40 : vector<64x1xf32> to vector<64x1024xf32>
    %mul3A_42 = vector.broadcast %convert_element_type3A_38 : vector<1x1024xf32> to vector<64x1024xf32>
    %mul3A_43 = arith.mulf %mul3A_41, %mul3A_42 : vector<64x1024xf32>
    %add3A_44 = arith.addf %add3A, %mul3A_43 : vector<64x1024xf32>
    %iota3A = tpu.iota {dimensions = array<i32: 1>} : vector<64x1024xi32>
    %and3A = arith.constant 255 : i32
    %and3A_45 = vector.broadcast %and3A : i32 to vector<64x1024xi32>
    %and3A_46 = arith.andi %iota3A, %and3A_45 : vector<64x1024xi32>
    %lt3A = arith.constant 200 : i32
    %lt3A_47 = vector.broadcast %lt3A : i32 to vector<64x1024xi32>
    %lt3A_48 = arith.cmpi slt, %and3A_46, %lt3A_47 : vector<64x1024xi32>
    %jit3A = arith.constant -3.000000e+38 : f32
    %broadcast_in_dim3A_49 = vector.broadcast %jit3A : f32 to vector<64x1024xf32>
    %select_n3A = arith.select %lt3A_48, %add3A_44, %broadcast_in_dim3A_49 : vector<64x1024xi1>, vector<64x1024xf32>
    %iota3A_50 = tpu.iota {dimensions = array<i32: 1>} : vector<64x128xi32>
    %broadcast_in_dim3A_51 = arith.constant 0 : i32
    %broadcast_in_dim3A_52 = vector.broadcast %broadcast_in_dim3A_51 : i32 to vector<64x128xi32>
    %slice3A = vector.extract_strided_slice %select_n3A {offsets = [0, 0], sizes = [64, 256], strides = [1, 1]} : vector<64x1024xf32> to vector<64x256xf32>
    %reduce_max3A = arith.constant dense<0xFF800000> : vector<64xf32>
    %reduce_max3A_53 = vector.multi_reduction <maximumf>, %slice3A, %reduce_max3A [1] : vector<64x256xf32> to vector<64xf32>
    %broadcast_in_dim3A_54 = vector.shape_cast %reduce_max3A_53 : vector<64xf32> to vector<64x1xf32>
    %iota3A_55 = tpu.iota {dimensions = array<i32: 1>} : vector<64x256xi32>
    %eq3A = vector.broadcast %broadcast_in_dim3A_54 : vector<64x1xf32> to vector<64x256xf32>
    %eq3A_56 = arith.cmpf oeq, %slice3A, %eq3A : vector<64x256xf32>
    %jit3A_57 = arith.constant 256 : i32
    %broadcast_in_dim3A_58 = vector.broadcast %jit3A_57 : i32 to vector<64x256xi32>
    %select_n3A_59 = arith.select %eq3A_56, %iota3A_55, %broadcast_in_dim3A_58 : vector<64x256xi1>, vector<64x256xi32>
    %reduce_min3A = arith.constant dense<2147483647> : vector<64xi32>
    %reduce_min3A_60 = vector.multi_reduction <minsi>, %select_n3A_59, %reduce_min3A [1] : vector<64x256xi32> to vector<64xi32>
    %broadcast_in_dim3A_61 = vector.shape_cast %reduce_min3A_60 : vector<64xi32> to vector<64x1xi32>
    %eq3A_62 = arith.constant 0 : i32
    %eq3A_63 = vector.broadcast %eq3A_62 : i32 to vector<64x128xi32>
    %eq3A_64 = arith.cmpi eq, %iota3A_50, %eq3A_63 : vector<64x128xi32>
    %broadcast_in_dim3A_65 = vector.shape_cast %broadcast_in_dim3A_61 : vector<64x1xi32> to vector<64x1xi32>
    %broadcast_in_dim3A_66 = vector.broadcast %broadcast_in_dim3A_65 : vector<64x1xi32> to vector<64x128xi32>
    %select_n3A_67 = arith.select %eq3A_64, %broadcast_in_dim3A_66, %broadcast_in_dim3A_52 : vector<64x128xi1>, vector<64x128xi32>
    %slice3A_68 = vector.extract_strided_slice %select_n3A {offsets = [0, 256], sizes = [64, 256], strides = [1, 1]} : vector<64x1024xf32> to vector<64x256xf32>
    %reduce_max3A_69 = arith.constant dense<0xFF800000> : vector<64xf32>
    %reduce_max3A_70 = vector.multi_reduction <maximumf>, %slice3A_68, %reduce_max3A_69 [1] : vector<64x256xf32> to vector<64xf32>
    %broadcast_in_dim3A_71 = vector.shape_cast %reduce_max3A_70 : vector<64xf32> to vector<64x1xf32>
    %iota3A_72 = tpu.iota {dimensions = array<i32: 1>} : vector<64x256xi32>
    %eq3A_73 = vector.broadcast %broadcast_in_dim3A_71 : vector<64x1xf32> to vector<64x256xf32>
    %eq3A_74 = arith.cmpf oeq, %slice3A_68, %eq3A_73 : vector<64x256xf32>
    %jit3A_75 = arith.constant 256 : i32
    %broadcast_in_dim3A_76 = vector.broadcast %jit3A_75 : i32 to vector<64x256xi32>
    %select_n3A_77 = arith.select %eq3A_74, %iota3A_72, %broadcast_in_dim3A_76 : vector<64x256xi1>, vector<64x256xi32>
    %reduce_min3A_78 = arith.constant dense<2147483647> : vector<64xi32>
    %reduce_min3A_79 = vector.multi_reduction <minsi>, %select_n3A_77, %reduce_min3A_78 [1] : vector<64x256xi32> to vector<64xi32>
    %broadcast_in_dim3A_80 = vector.shape_cast %reduce_min3A_79 : vector<64xi32> to vector<64x1xi32>
    %eq3A_81 = arith.constant 1 : i32
    %eq3A_82 = vector.broadcast %eq3A_81 : i32 to vector<64x128xi32>
    %eq3A_83 = arith.cmpi eq, %iota3A_50, %eq3A_82 : vector<64x128xi32>
    %broadcast_in_dim3A_84 = vector.shape_cast %broadcast_in_dim3A_80 : vector<64x1xi32> to vector<64x1xi32>
    %broadcast_in_dim3A_85 = vector.broadcast %broadcast_in_dim3A_84 : vector<64x1xi32> to vector<64x128xi32>
    %select_n3A_86 = arith.select %eq3A_83, %broadcast_in_dim3A_85, %select_n3A_67 : vector<64x128xi1>, vector<64x128xi32>
    %slice3A_87 = vector.extract_strided_slice %select_n3A {offsets = [0, 512], sizes = [64, 256], strides = [1, 1]} : vector<64x1024xf32> to vector<64x256xf32>
    %reduce_max3A_88 = arith.constant dense<0xFF800000> : vector<64xf32>
    %reduce_max3A_89 = vector.multi_reduction <maximumf>, %slice3A_87, %reduce_max3A_88 [1] : vector<64x256xf32> to vector<64xf32>
    %broadcast_in_dim3A_90 = vector.shape_cast %reduce_max3A_89 : vector<64xf32> to vector<64x1xf32>
    %iota3A_91 = tpu.iota {dimensions = array<i32: 1>} : vector<64x256xi32>
    %eq3A_92 = vector.broadcast %broadcast_in_dim3A_90 : vector<64x1xf32> to vector<64x256xf32>
    %eq3A_93 = arith.cmpf oeq, %slice3A_87, %eq3A_92 : vector<64x256xf32>
    %jit3A_94 = arith.constant 256 : i32
    %broadcast_in_dim3A_95 = vector.broadcast %jit3A_94 : i32 to vector<64x256xi32>
    %select_n3A_96 = arith.select %eq3A_93, %iota3A_91, %broadcast_in_dim3A_95 : vector<64x256xi1>, vector<64x256xi32>
    %reduce_min3A_97 = arith.constant dense<2147483647> : vector<64xi32>
    %reduce_min3A_98 = vector.multi_reduction <minsi>, %select_n3A_96, %reduce_min3A_97 [1] : vector<64x256xi32> to vector<64xi32>
    %broadcast_in_dim3A_99 = vector.shape_cast %reduce_min3A_98 : vector<64xi32> to vector<64x1xi32>
    %eq3A_100 = arith.constant 2 : i32
    %eq3A_101 = vector.broadcast %eq3A_100 : i32 to vector<64x128xi32>
    %eq3A_102 = arith.cmpi eq, %iota3A_50, %eq3A_101 : vector<64x128xi32>
    %broadcast_in_dim3A_103 = vector.shape_cast %broadcast_in_dim3A_99 : vector<64x1xi32> to vector<64x1xi32>
    %broadcast_in_dim3A_104 = vector.broadcast %broadcast_in_dim3A_103 : vector<64x1xi32> to vector<64x128xi32>
    %select_n3A_105 = arith.select %eq3A_102, %broadcast_in_dim3A_104, %select_n3A_86 : vector<64x128xi1>, vector<64x128xi32>
    %slice3A_106 = vector.extract_strided_slice %select_n3A {offsets = [0, 768], sizes = [64, 256], strides = [1, 1]} : vector<64x1024xf32> to vector<64x256xf32>
    %reduce_max3A_107 = arith.constant dense<0xFF800000> : vector<64xf32>
    %reduce_max3A_108 = vector.multi_reduction <maximumf>, %slice3A_106, %reduce_max3A_107 [1] : vector<64x256xf32> to vector<64xf32>
    %broadcast_in_dim3A_109 = vector.shape_cast %reduce_max3A_108 : vector<64xf32> to vector<64x1xf32>
    %iota3A_110 = tpu.iota {dimensions = array<i32: 1>} : vector<64x256xi32>
    %eq3A_111 = vector.broadcast %broadcast_in_dim3A_109 : vector<64x1xf32> to vector<64x256xf32>
    %eq3A_112 = arith.cmpf oeq, %slice3A_106, %eq3A_111 : vector<64x256xf32>
    %jit3A_113 = arith.constant 256 : i32
    %broadcast_in_dim3A_114 = vector.broadcast %jit3A_113 : i32 to vector<64x256xi32>
    %select_n3A_115 = arith.select %eq3A_112, %iota3A_110, %broadcast_in_dim3A_114 : vector<64x256xi1>, vector<64x256xi32>
    %reduce_min3A_116 = arith.constant dense<2147483647> : vector<64xi32>
    %reduce_min3A_117 = vector.multi_reduction <minsi>, %select_n3A_115, %reduce_min3A_116 [1] : vector<64x256xi32> to vector<64xi32>
    %broadcast_in_dim3A_118 = vector.shape_cast %reduce_min3A_117 : vector<64xi32> to vector<64x1xi32>
    %eq3A_119 = arith.constant 3 : i32
    %eq3A_120 = vector.broadcast %eq3A_119 : i32 to vector<64x128xi32>
    %eq3A_121 = arith.cmpi eq, %iota3A_50, %eq3A_120 : vector<64x128xi32>
    %broadcast_in_dim3A_122 = vector.shape_cast %broadcast_in_dim3A_118 : vector<64x1xi32> to vector<64x1xi32>
    %broadcast_in_dim3A_123 = vector.broadcast %broadcast_in_dim3A_122 : vector<64x1xi32> to vector<64x128xi32>
    %select_n3A_124 = arith.select %eq3A_121, %broadcast_in_dim3A_123, %select_n3A_105 : vector<64x128xi1>, vector<64x128xi32>
    %swap3A = arith.constant 0 : index
    %swap3A_125 = arith.constant 0 : index
    %swap3A_126 = vector.load %arg7[%swap3A, %swap3A_125] : memref<64x128xi32, #tpu.memory_space<vmem>>, vector<64x128xi32>
    tpu.vector_store %arg7[%swap3A, %swap3A_125], %select_n3A_124 {strides = array<i32>} : memref<64x128xi32, #tpu.memory_space<vmem>>, vector<64x128xi32>,
    return
  }
  func.func @transform_0(%arg0: i32) -> (i32, i32, i32) {
    %c0_i32 = arith.constant 0 : i32
    %c0_i32_0 = arith.constant 0 : i32
    %c0_i32_1 = arith.constant 0 : i32
    return %arg0, %c0_i32, %c0_i32_0 : i32, i32, i32
  }
  func.func @transform_1(%arg0: i32) -> (i32, i32, i32) {
    %c0_i32 = arith.constant 0 : i32
    %c0_i32_0 = arith.constant 0 : i32
    %c0_i32_1 = arith.constant 0 : i32
    return %arg0, %c0_i32, %c0_i32_0 : i32, i32, i32
  }
  func.func @transform_2(%arg0: i32) -> (i32, i32) {
    %c0_i32 = arith.constant 0 : i32
    %c0_i32_0 = arith.constant 0 : i32
    return %arg0, %c0_i32 : i32, i32
  }
  func.func @transform_3(%arg0: i32) -> (i32, i32) {
    %c0_i32 = arith.constant 0 : i32
    %c0_i32_0 = arith.constant 0 : i32
    %c0_i32_1 = arith.constant 0 : i32
    return %c0_i32, %c0_i32_0 : i32, i32
  }
  func.func @transform_4(%arg0: i32) -> (i32, i32) {
    %c0_i32 = arith.constant 0 : i32
    %c0_i32_0 = arith.constant 0 : i32
    %c0_i32_1 = arith.constant 0 : i32
    return %c0_i32, %c0_i32_0 : i32, i32
  }
  func.func @transform_5(%arg0: i32) -> (i32, i32) {
    %c0_i32 = arith.constant 0 : i32
    %c0_i32_0 = arith.constant 0 : i32
    %c0_i32_1 = arith.constant 0 : i32
    return %c0_i32, %c0_i32_0 : i32, i32
  }
  func.func @transform_6(%arg0: i32) -> (i32, i32) {
    %c0_i32 = arith.constant 0 : i32
    %c0_i32_0 = arith.constant 0 : i32
    return %arg0, %c0_i32 : i32, i32
  }
}

</mosaic_0001>

<sc_bundles>
// kernel: kernel.4.cloned.1.call-start
scs
__scs_entry_jumppad:
0x0: {  	(pc) =	sbr.rel $0x88, $3  }
0x1: {  	(tag) =	ssettag $0x0;
	lr =	simm.s32 $0x1  }
0x2: {  	[smem:$0x3F9D] =	sst lr;
	_ =	strace $0xD0000000  }
0x3: {  	_ = 	snop  }
0x4: {  	_ = 	snop  }
0x5: {  	_ = 	snop  }
0x6: {  	_ = 	snop  }
0x7: {  	_ = 	snop  }
__scs_overlays_trampoline_lowered:
0x8: {  	[smem:$0x3FAC] =	sst s0  }
0x9: {  	[smem:$0x3FAD] =	sst s1  }
0xa: {  	[smem:$0x3FAE] =	sst s2  }
0xb: {  	[smem:$0x3FAF] =	sst s3  }
0xc: {  	[smem:$0x3FB0] =	sst s4  }
0xd: {  	[smem:$0x3FB1] =	sst s5  }
0xe: {  	[smem:$0x3FB2] =	sst s6  }
0xf: {  	[smem:$0x3FB3] =	sst s7  }
0x10: {  	[smem:$0x3FB4] =	sst s8  }
0x11: {  	[smem:$0x3FB5] =	sst s9;
	s0 =	simm.s32 @!p0 $0x0  }
0x12: {  	s1 =	sld [smem:$0x3F9B];
	s0 =	simm.s32 @p0 $0x1  }
0x13: {  	[smem:$0x3FB6] =	sst s0;
	s0 =	simm.s32 @!p1 $0x0  }
0x14: {  	s2 =	sld [smem:$0x3F9A];
	s0 =	simm.s32 @p1 $0x1  }
0x15: {  	[smem:$0x3FB7] =	sst s0;
	s0 =	simm.s32 @!p2 $0x0  }
0x16: {  	s3 =	sld [smem:$0x3FDB];
	s0 =	simm.s32 @p2 $0x1  }
0x17: {  	s4 =	simm.s32 $0x1BF5;
	[smem:$0x3FB9] =	sst s0  }
0x18: {  	s0 =	sld [smem:$0x3F9C];
	_ =	swait.ge [sflag:s4], $0x0  }
0x19: {  	s7 =	sld [smem:$0x3F9D]  }
0x1a: {  	s8 =	sadd.s32 $0xFFFFE003, lr  }
0x1b: {  	s9 =	sadd.s32 $0xFFFFFEF7, lr;
	s5 =	simm.s32 $0xFFFFFFFF;
	p2 =	slt.u32 s8, $0xFFFFF086  }
0x1c: {  	p1 =	slt.u32 s9, $0xF7A;
	s5 =	simm.s32 @!p2 $0x0  }
0x1d: {  	s5 =	simm.s32 @p1 $0x1;
	p0 =	seq.s32 s7, s2  }
0x1e: {  	s7 =	smul.u32 @!p0 $0xF7A, s2;
	p2 =	seq.s32 @!p0 s5, $0x0  }
0x1f: {  	s9 =	smul.u32 $0xF7A, s1;
	s8 =	simm.s32 @!p0 $0x1BF5;
	p2 =	por !p2, p0  }
0x20: {  	[sflag:s8] =	ssyncset.s32 @!p0 $0xFFFFF086;
	s6 =	sadd.s32 @!p0 s3, s7;
	s7 =	simm.s32 @!p0 $0x108  }
0x21: {  	s3 =	sadd.s32 s3, s9;
	s6 =	sadd.s32 @!p0 $0x88, s6;
	s7 =	simm.s32 @p2 $0x1082  }
0x22: {  	[simem:s7], [sflag:s8] =	dma.local @!p0 [hbm:s6], $0xF7A  }
0x23: {  	s9 =	sor.u32 $0xD0000000, s2;
	s6 =	simm.s32 $0x108;
	_ =	swait.ge @!p0 [sflag:s8], $0x0  }
0x24: {  	s3 =	sadd.s32 $0x88, s3;
	s6 =	simm.s32 @!p1 $0x1082;
	[sflag:s4] =	ssyncset.s32 $0xFFFFF086  }
0x25: {  	[simem:s6], [sflag:s4] =	dma.local [hbm:s3], $0xF7A  }
0x26: {  	[smem:$0x3F9D] =	sst s1;
	(tag) =	ssettag s2;
	_ =	strace s9  }
0x27: {  	s1 =	sld [smem:$0x3FAD]  }
0x28: {  	s2 =	sld [smem:$0x3FAE]  }
0x29: {  	s4 =	sld [smem:$0x3FB0]  }
0x2a: {  	p0 =	seq.s32 s5, $0x0;
	s5 =	sld [smem:$0x3FB1]  }
0x2b: {  	s6 =	sld [smem:$0x3FB2]  }
0x2c: {  	s7 =	sld [smem:$0x3FB3]  }
0x2d: {  	s3 =	simm.s32 $0x108;
	s8 =	sld [smem:$0x3FB4]  }
0x2e: {  	s3 =	simm.s32 @!p0 $0x1082;
	s9 =	sld [smem:$0x3FB5]  }
0x2f: {  	lr =	sadd.s32 s0, s3;
	s0 =	sld [smem:$0x3FAC]  }
0x30: {  	s3 =	sld [smem:$0x3FAF]  }
0x31: {  	[smem:$0x3FB8] =	sst s10  }
0x32: {  	s10 =	sld [smem:$0x3FB6];
	_ =	sdelay $0x3  }
0x33: {  	p0 =	seq.s32 s10, $0x1;
	s10 =	sld [smem:$0x3FB8];
	_ =	sdelay $0x3  }
0x34: {  	[smem:$0x3FB8] =	sst s10  }
0x35: {  	s10 =	sld [smem:$0x3FB7];
	_ =	sdelay $0x3  }
0x36: {  	p1 =	seq.s32 s10, $0x1;
	s10 =	sld [smem:$0x3FB8];
	_ =	sdelay $0x3  }
0x37: {  	[smem:$0x3FB8] =	sst s10  }
0x38: {  	s10 =	sld [smem:$0x3FB9]  }
0x39: {  	_ = 	snop;
	(pc) =	sbr.ind lr, $3  }
0x3a: {  	_ = 	snop  }
0x3b: {  	_ = 	snop  }
0x3c: {  	p2 =	seq.s32 s10, $0x1;
	s10 =	sld [smem:$0x3FB8]  }
0x3d: {  	_ =	shalt  }
0x3e: {  	_ =	shalt  }
0x3f: {  	_ =	shalt  }
0x40: {  	_ =	shalt  }
0x41: {  	_ =	shalt  }
0x42: {  	_ =	shalt  }
0x43: {  	_ =	shalt  }
0x44: {  	_ =	shalt  }
0x45: {  	_ =	shalt  }
0x46: {  	_ =	shalt  }
0x47: {  	_ =	shalt  }
0x48: {  	_ =	shalt  }
0x49: {  	_ =	shalt  }
0x4a: {  	_ =	shalt  }
0x4b: {  	_ =	shalt  }
0x4c: {  	_ =	shalt  }
0x4d: {  	_ =	shalt  }
0x4e: {  	_ =	shalt  }
0x4f: {  	_ =	shalt  }
0x50: {  	_ =	shalt  }
0x51: {  	_ =	shalt  }
0x52: {  	_ =	shalt  }
0x53: {  	_ =	shalt  }
0x54: {  	_ =	shalt  }
0x55: {  	_ =	shalt  }
0x56: {  	_ =	shalt  }
0x57: {  	_ =	shalt  }
0x58: {  	_ =	shalt  }
0x59: {  	_ =	shalt  }
0x5a: {  	_ =	shalt  }
0x5b: {  	_ =	shalt  }
0x5c: {  	_ =	shalt  }
0x5d: {  	_ =	shalt  }
0x5e: {  	_ =	shalt  }
0x5f: {  	_ =	shalt  }
0x60: {  	_ =	shalt  }
0x61: {  	_ =	shalt  }
0x62: {  	_ =	shalt  }
0x63: {  	_ =	shalt  }
0x64: {  	_ =	shalt  }
0x65: {  	_ =	shalt  }
0x66: {  	_ =	shalt  }
0x67: {  	_ =	shalt  }
0x68: {  	_ =	shalt  }
0x69: {  	_ =	shalt  }
0x6a: {  	_ =	shalt  }
0x6b: {  	_ =	shalt  }
0x6c: {  	_ =	shalt  }
0x6d: {  	_ =	shalt  }
0x6e: {  	_ =	shalt  }
0x6f: {  	_ =	shalt  }
0x70: {  	_ =	shalt  }
0x71: {  	_ =	shalt  }
0x72: {  	_ =	shalt  }
0x73: {  	_ =	shalt  }
0x74: {  	_ =	shalt  }
0x75: {  	_ =	shalt  }
0x76: {  	_ =	shalt  }
0x77: {  	_ =	shalt  }
0x78: {  	_ =	shalt  }
0x79: {  	_ =	shalt  }
0x7a: {  	_ =	shalt  }
0x7b: {  	_ =	shalt  }
0x7c: {  	_ =	shalt  }
0x7d: {  	_ =	shalt  }
0x7e: {  	_ =	shalt  }
0x7f: {  	_ =	shalt  }
0x80: {  	_ =	shalt  }
0x81: {  	_ =	shalt  }
0x82: {  	_ =	shalt  }
0x83: {  	_ =	shalt  }
0x84: {  	_ =	shalt  }
0x85: {  	_ =	shalt  }
0x86: {  	_ =	shalt  }
0x87: {  	_ =	shalt  }
.Lfunc_end0:
.L_simem_size_0:
called_computation_lowered:
.L_overlay_start_0:
0x88: {  	s0 =	sld [smem:$0x3FD9]  }
0x89: {  	s1 =	sld [smem:$0x3FFE];
	_ =	sdelay $0x3  }
0x8a: {  	s0 =	sadd.s32 s1, s0  }
0x8b: {  	[smem:$0x3FC4] =	sst s0  }
0x8c: {  	_ = 	snop  }
0x8d: {  	s0 =	sld [smem:$0x3FD0];
	(tm) =	ssettm $0x1  }
0x8e: {  	s16 =	sld [smem:$0x3FFB];
	_ =	sdelay $0x3  }
0x8f: {  	_ =	strace s16  }
0x90: {  	s1 =	sld [smem:$0x3FFC];
	_ =	sdelay $0x3  }
0x91: {  	_ =	strace s1  }
0x92: {  	s1 =	sld [smem:$0x3FFD];
	_ =	sdelay $0x3  }
0x93: {  	_ =	strace s1  }
0x94: {  	_ =	strace $0x8FFFFFFF  }
0x95: {  	s17 =	sld [smem:$0x3FDB];
	_ =	sdelay $0x1  }
0x96: {  	s2 =	simm.s32 $_scs_section_size  }
0x97: {  	s3 =	simm.s32 $_size__tile_overlayer_lowered;
	s4 =	simm.s32 $_tile_overlayer_lowered  }
0x98: {  	s20 =	simm.s32 $0x1BFF;
	s19 =	sshll.u32 s4, $0x1;
	s1 =	sadd.s32 s2, s17  }
0x99: {  	s5 =	simm.s32 $0x0;
	s18 =	sshll.u32 s3, $0x1;
	s3 =	sadd.s32 s19, s1  }
0x9a: {  	[timem:s5], [sflag:s20] =	dma.local [hbm:s3], s18  }
0x9b: {  	_ =	swait.ge [sflag:s20], s18  }
0x9c: {  	s2 =	ssub.s32 $0x0, s18;
	[sflag:s20] =	ssyncset.done $0x0  }
0x9d: {  	[sflag:s20] =	ssyncadd.s32 s2;
	_ =	sdelay $0x1  }
0x9e: {  	s21 =	simm.s32 $0x1B8B  }
0x9f: {  	_ =	swait.ge [sflag:s21], $0x1  }
0xa0: {  	[sflag:s21] =	ssyncset.done $0x0  }
0xa1: {  	s23 =	simm.s32 $0x1B8E;
	s22 =	sld [smem:$0x3FFE];
	[sflag:s21] =	ssyncadd.s32 $0xFFFFFFFF  }
0xa2: {  	s24 =	simm.s32 $execute0_lowered;
	[smem:$0x3FD2] =	sst s23  }
0xa3: {  	s3 =	sshll.u32 s24, $0x1;
	_ =	strace $0x80000046;
	[dreg:$0x1] =	wrdreg $0xFFFFFFFF  }
0xa4: {  	s25 =	simm.s32 $_size_execute0_lowered;
	s1 =	sadd.s32 s1, s3;
	[dreg:$0x0] =	wrdreg $0x0  }
0xa5: {  	s3 =	sshll.u32 s25, $0x1;
	[dreg:$0x2] =	wrdreg s1  }
0xa6: {  	[dreg:$0x3] =	wrdreg s3  }
0xa7: {  	[dreg:$0x4] =	wrdreg $0xC0  }
0xa8: {  	_ =	task [dreg:s5], $0x5FFFF  }
0xa9: {  	[dreg:$0x1] =	wrdreg $0xFFFFFFFF  }
0xaa: {  	[dreg:$0x0] =	wrdreg $0x60  }
0xab: {  	[dreg:$0x2] =	wrdreg s22  }
0xac: {  	[dreg:$0x3] =	wrdreg s0  }
0xad: {  	[dreg:$0x4] =	wrdreg $0x9  }
0xae: {  	_ =	task.clear_ibuf [dreg:s5], $0x5FFFF;
	_ =	strace $0x90000046  }
0xaf: {  	s26 =	simm.s32 $0x9;
	_ =	strace $0x80000048  }
0xb0: {  	_ =	swait.ge [sflag:s26], $0x1  }
0xb1: {  	[sflag:s26] =	ssyncadd.s32 $0xFFFFFFFF  }
0xb2: {  	_ =	strace $0x90000048  }
0xb3: {  	_ =	sfence  }
0xb4: {  	s28 =	sld [smem:$0x0];
	_ =	sdelay $0x1  }
0xb5: {  	s29 =	srdreg.scid  }
0xb6: {  	s30 =	sshll.u32 s29, $0xD;
	s31 =	sshrl.u32 s29, $0x2  }
0xb7: {  	s2 =	sand.u32 $0x4000, s30;
	s1 =	sand.u32 $0x1, s29;
	s0 =	sadd.s32 s31, s28  }
0xb8: {  	s1 =	sor.u32 s2, s1;
	s0 =	sshll.u32 s0, $0x11  }
0xb9: {  	s0 =	sor.u32 s0, s1  }
0xba: {  	s0 =	sadd.s32 $0x8F2B, s0  }
0xbb: {  	[sflag:s0] =	ssyncadd.remote.s32 $0x1  }
0xbc: {  	_ =	sfence.sel $0xFFFF  }
0xbd: {  	[dreg:$0x0] =	wrdreg $0xFFFFFFFF;
	(pc) =	sbr.abs _section_cstart, $3  }
0xbe: {  	[dreg:$0x1] =	wrdreg $0xFFFFFFFF  }
0xbf: {  	_ =	task.clear_ibuf [dreg:s5], $0x2FFFF;
	_ =	strace $0x9FFFFFFF  }
0xc0: {  	(tm) =	ssettm $0x7FFFFFFF  }
0xc1: {  	_ =	shalt  }
tec
execute0_lowered:
.L_overlay_start_1:
0x0: {  	(tag) =	ssettag $0x1  }
0x1: {  	v0 =	vimm.s32 $0x3210  }
0x2: {  	v0 =	vunpack.c.l.s4.s8 v0  }
0x3: {  	v1 =	vimm.s32 $0x83828180  }
0x4: {  	v1 =	vunpack.c.0.s8.s32 v1;
	v0 =	vunpack.c.0.s8.s32 v0  }
0x5: {  	s4 =	rddreg [dreg:$0x0];
	vm0 =	vcmask $0xF00  }
0x6: {  	s2 =	rddreg [dreg:$0x1];
	s1 =	stileid.u32;
	vm15 =	vcmask $0x1F10;
	v1 =	vand.u32 $0xFF, v1;
	v0 =	vnsel vm0, $0x183, v0  }
0x7: {  	s0 =	rddreg [dreg:$0x2];
	s3 =	simm.s32 $0x0;
	s5 =	sshll.u32 s1, $0xB;
	vm0 =	vcmask $0x2320;
	v0 =	vsel vm15, v1, v0  }
0x8: {  	vm1 =	vcmask $0x2724;
	[smem:$0x7FF] =	sst s3;
	s6 =	sshll.u32 s1, $0xA;
	s5 =	sadd.s32 s5, s4;
	v0 =	vsel vm0, $0x100, v0  }
0x9: {  	vm2 =	vcmask $0x2B28;
	_ =	strace $0x80000047;
	s4 =	sadd.s32 s6, s4;
	s5 =	sadd.s32 $0xA00, s5;
	v0 =	vsel vm1, $0x101, v0  }
0xa: {  	vm3 =	vcmask $0x2F2C;
	[tilespmem:s3], [sflag:$0x1] =	stream.linear.gather [hbm4b:s5+s3], $0x4000, $0x38;
	v0 =	vsel vm2, $0x102, v0;
	[tilespmem:$0x6100] =	vst v63  }
0xb: {  	s23 =	simm.s32 $0x4000;
	vm4 =	vcmask $0x3330;
	s24 =	simm.s32 $0x1;
	s4 =	sadd.s32 $0x8A00, s4;
	v0 =	vsel vm3, $0x103, v0  }
0xc: {  	vm5 =	vcmask $0x3734;
	[tilespmem:s23], [sflag:$0x2] =	stream.linear.gather [hbm4b:s4+s3], $0x2000, $0x38;
	v0 =	vsel vm4, $0x180, v0;
	[tilespmem:$0x6100] =	vst v63  }
0xd: {  	vm6 =	vcmask $0x3B38;
	_ =	swait.ge [sflag:s24], $0x4000;
	v0 =	vsel vm5, $0x181, v0  }
0xe: {  	[sflag:s24] =	ssyncset.done $0x0;
	v0 =	vsel vm6, $0x182, v0  }
0xf: {  	s25 =	simm.s32 $0x2;
	[sflag:s24] =	ssyncadd.s32 $0xFFFFC000  }
0x10: {  	_ =	swait.ge [sflag:s25], $0x2000  }
0x11: {  	[sflag:s25] =	ssyncset.done $0x0  }
0x12: {  	[sflag:s25] =	ssyncadd.s32 $0xFFFFE000  }
0x13: {  	v0 =	vld.idx.msk [tilespmem:v0+s23+$0x0], $0xffff  }
0x14: {  	v16 =	vimm.s32 $0x383;
	vm7 =	vcmask $0x300  }
0x15: {  	vm8 =	vcmask $0x704;
	v1 =	vsel vm7, $0x200, v16  }
0x16: {  	vm9 =	vcmask $0xB08;
	vm10 =	vcmask $0xF0C;
	v1 =	vsel vm8, $0x201, v1  }
0x17: {  	vm11 =	vcmask $0x1310;
	v18 =	vlaneseq.u32;
	v1 =	vsel vm9, $0x202, v1  }
0x18: {  	v17 =	vsel vm10, $0x203, v1;
	v2 =	vand.u32 $0x7F, v0;
	v0 =	vshll.u32 v0, $0x3  }
0x19: {  	vm12 =	vcmask $0x1714;
	v3 =	vand.u32 $0xFFFFFC00, v0;
	v0 =	vsel vm11, $0x280, v17  }
0x1a: {  	vm13 =	vcmask $0x1B18;
	v1 =	vshrl.u32 v18, $0x2;
	v4 =	vsel vm12, $0x281, v0  }
0x1b: {  	vm14 =	vcmask $0x1F1C;
	v19 =	vmul.u32 $0x80, v1;
	v20 =	vsel vm13, $0x282, v4  }
0x1c: {  	v2 =	vor.u32 v3, v2;
	v1 =	vsel vm14, $0x283, v20  }
0x1d: {  	v2 =	vor.u32 v19, v2;
	v1 =	vsel vm0, $0x300, v1  }
0x1e: {  	v1 =	vsel vm1, $0x301, v1  }
0x1f: {  	v1 =	vsel vm2, $0x302, v1  }
0x20: {  	v1 =	vsel vm3, $0x303, v1  }
0x21: {  	v1 =	vsel vm4, $0x380, v1  }
0x22: {  	v2 =	vld.idx.msk [tilespmem:v2+s3+$0x0], $0xffff;
	v1 =	vsel vm5, $0x381, v1  }
0x23: {  	v1 =	vsel vm6, $0x382, v1;
	_ =	sdelay $0x3  }
0x24: {  	v21 =	vimm.s32 $0x583;
	[tilespmem:$0x6000] =	vst v2  }
0x25: {  	v2 =	vsel vm7, $0x400, v21;
	v1 =	vld.idx.msk [tilespmem:v1+s23+$0x0], $0xffff  }
0x26: {  	v2 =	vsel vm8, $0x401, v2  }
0x27: {  	v2 =	vsel vm9, $0x402, v2  }
0x28: {  	v2 =	vsel vm10, $0x403, v2  }
0x29: {  	v2 =	vsel vm11, $0x480, v2  }
0x2a: {  	v2 =	vsel vm12, $0x481, v2;
	v22 =	vshll.u32 v1, $0x3  }
0x2b: {  	v2 =	vsel vm13, $0x482, v2;
	v1 =	vand.u32 $0x7F, v1;
	v3 =	vand.u32 $0xFFFFFC00, v22  }
0x2c: {  	v23 =	vor.u32 $0x200, v19;
	v2 =	vsel vm14, $0x483, v2;
	v1 =	vor.u32 v3, v1  }
0x2d: {  	v2 =	vsel vm0, $0x500, v2;
	v1 =	vor.u32 v23, v1  }
0x2e: {  	v2 =	vsel vm1, $0x501, v2  }
0x2f: {  	v2 =	vsel vm2, $0x502, v2  }
0x30: {  	v2 =	vsel vm3, $0x503, v2  }
0x31: {  	v2 =	vsel vm4, $0x580, v2  }
0x32: {  	v2 =	vsel vm5, $0x581, v2;
	v1 =	vld.idx.msk [tilespmem:v1+s3+$0x0], $0xffff  }
0x33: {  	v2 =	vsel vm6, $0x582, v2;
	_ =	sdelay $0x3  }
0x34: {  	v24 =	vimm.s32 $0x783;
	[tilespmem:$0x6010] =	vst v1  }
0x35: {  	v1 =	vsel vm7, $0x600, v24;
	v2 =	vld.idx.msk [tilespmem:v2+s23+$0x0], $0xffff  }
0x36: {  	v1 =	vsel vm8, $0x601, v1  }
0x37: {  	v1 =	vsel vm9, $0x602, v1  }
0x38: {  	v1 =	vsel vm10, $0x603, v1  }
0x39: {  	v1 =	vsel vm11, $0x680, v1  }
0x3a: {  	v1 =	vsel vm12, $0x681, v1;
	v25 =	vshll.u32 v2, $0x3  }
0x3b: {  	v2 =	vand.u32 $0x7F, v2;
	v1 =	vsel vm13, $0x682, v1;
	v3 =	vand.u32 $0xFFFFFC00, v25  }
0x3c: {  	v26 =	vor.u32 $0x800, v19;
	v1 =	vsel vm14, $0x683, v1;
	v2 =	vor.u32 v2, v3  }
0x3d: {  	v1 =	vsel vm0, $0x700, v1;
	v2 =	vadd.s32 v26, v2  }
0x3e: {  	v1 =	vsel vm1, $0x701, v1  }
0x3f: {  	v1 =	vsel vm2, $0x702, v1  }
0x40: {  	v1 =	vsel vm3, $0x703, v1  }
0x41: {  	v1 =	vsel vm4, $0x780, v1  }
0x42: {  	v1 =	vsel vm5, $0x781, v1;
	v2 =	vld.idx.msk [tilespmem:v2+s3+$0x0], $0xffff  }
0x43: {  	v1 =	vsel vm6, $0x782, v1;
	_ =	sdelay $0x3  }
0x44: {  	v27 =	vimm.s32 $0x983;
	[tilespmem:$0x6020] =	vst v2  }
0x45: {  	v2 =	vsel vm7, $0x800, v27;
	v1 =	vld.idx.msk [tilespmem:v1+s23+$0x0], $0xffff  }
0x46: {  	v2 =	vsel vm8, $0x801, v2  }
0x47: {  	v2 =	vsel vm9, $0x802, v2  }
0x48: {  	v2 =	vsel vm10, $0x803, v2  }
0x49: {  	v2 =	vsel vm11, $0x880, v2  }
0x4a: {  	v2 =	vsel vm12, $0x881, v2;
	v28 =	vshll.u32 v1, $0x3  }
0x4b: {  	v1 =	vand.u32 $0x7F, v1;
	v2 =	vsel vm13, $0x882, v2;
	v3 =	vand.u32 $0xFFFFFC00, v28  }
0x4c: {  	v29 =	vor.u32 $0xA00, v19;
	v2 =	vsel vm14, $0x883, v2;
	v1 =	vor.u32 v1, v3  }
0x4d: {  	v2 =	vsel vm0, $0x900, v2;
	v1 =	vadd.s32 v29, v1  }
0x4e: {  	v2 =	vsel vm1, $0x901, v2  }
0x4f: {  	v2 =	vsel vm2, $0x902, v2  }
0x50: {  	v2 =	vsel vm3, $0x903, v2  }
0x51: {  	v2 =	vsel vm4, $0x980, v2  }
0x52: {  	v2 =	vsel vm5, $0x981, v2;
	v1 =	vld.idx.msk [tilespmem:v1+s3+$0x0], $0xffff  }
0x53: {  	v2 =	vsel vm6, $0x982, v2;
	_ =	sdelay $0x3  }
0x54: {  	v30 =	vimm.s32 $0xB83;
	[tilespmem:$0x6030] =	vst v1  }
0x55: {  	v1 =	vsel vm7, $0xA00, v30;
	v2 =	vld.idx.msk [tilespmem:v2+s23+$0x0], $0xffff  }
0x56: {  	v1 =	vsel vm8, $0xA01, v1  }
0x57: {  	v1 =	vsel vm9, $0xA02, v1  }
0x58: {  	v1 =	vsel vm10, $0xA03, v1  }
0x59: {  	v1 =	vsel vm11, $0xA80, v1  }
0x5a: {  	v1 =	vsel vm12, $0xA81, v1;
	v31 =	vshll.u32 v2, $0x3  }
0x5b: {  	v2 =	vand.u32 $0x7F, v2;
	v1 =	vsel vm13, $0xA82, v1;
	v3 =	vand.u32 $0xFFFFFC00, v31  }
0x5c: {  	v32 =	vor.u32 $0x1000, v19;
	v1 =	vsel vm14, $0xA83, v1;
	v2 =	vor.u32 v2, v3  }
0x5d: {  	v1 =	vsel vm0, $0xB00, v1;
	v2 =	vadd.s32 v32, v2  }
0x5e: {  	v1 =	vsel vm1, $0xB01, v1  }
0x5f: {  	v1 =	vsel vm2, $0xB02, v1  }
0x60: {  	v1 =	vsel vm3, $0xB03, v1  }
0x61: {  	v1 =	vsel vm4, $0xB80, v1  }
0x62: {  	v1 =	vsel vm5, $0xB81, v1;
	v2 =	vld.idx.msk [tilespmem:v2+s3+$0x0], $0xffff  }
0x63: {  	v1 =	vsel vm6, $0xB82, v1;
	_ =	sdelay $0x3  }
0x64: {  	v33 =	vimm.s32 $0xD83;
	[tilespmem:$0x6040] =	vst v2  }
0x65: {  	v2 =	vsel vm7, $0xC00, v33;
	v1 =	vld.idx.msk [tilespmem:v1+s23+$0x0], $0xffff  }
0x66: {  	v2 =	vsel vm8, $0xC01, v2  }
0x67: {  	v2 =	vsel vm9, $0xC02, v2  }
0x68: {  	v2 =	vsel vm10, $0xC03, v2  }
0x69: {  	v2 =	vsel vm11, $0xC80, v2  }
0x6a: {  	v2 =	vsel vm12, $0xC81, v2;
	v34 =	vshll.u32 v1, $0x3  }
0x6b: {  	v1 =	vand.u32 $0x7F, v1;
	v2 =	vsel vm13, $0xC82, v2;
	v3 =	vand.u32 $0xFFFFFC00, v34  }
0x6c: {  	v35 =	vor.u32 $0x1200, v19;
	v2 =	vsel vm14, $0xC83, v2;
	v1 =	vor.u32 v1, v3  }
0x6d: {  	v2 =	vsel vm0, $0xD00, v2;
	v1 =	vadd.s32 v35, v1  }
0x6e: {  	v2 =	vsel vm1, $0xD01, v2  }
0x6f: {  	v2 =	vsel vm2, $0xD02, v2  }
0x70: {  	v2 =	vsel vm3, $0xD03, v2  }
0x71: {  	v2 =	vsel vm4, $0xD80, v2  }
0x72: {  	v2 =	vsel vm5, $0xD81, v2;
	v1 =	vld.idx.msk [tilespmem:v1+s3+$0x0], $0xffff  }
0x73: {  	v2 =	vsel vm6, $0xD82, v2;
	_ =	sdelay $0x3  }
0x74: {  	v36 =	vimm.s32 $0xF83;
	[tilespmem:$0x6050] =	vst v1  }
0x75: {  	v1 =	vsel vm7, $0xE00, v36;
	v2 =	vld.idx.msk [tilespmem:v2+s23+$0x0], $0xffff  }
0x76: {  	v1 =	vsel vm8, $0xE01, v1  }
0x77: {  	v1 =	vsel vm9, $0xE02, v1  }
0x78: {  	v1 =	vsel vm10, $0xE03, v1  }
0x79: {  	v1 =	vsel vm11, $0xE80, v1  }
0x7a: {  	v1 =	vsel vm12, $0xE81, v1;
	v37 =	vshll.u32 v2, $0x3  }
0x7b: {  	v2 =	vand.u32 $0x7F, v2;
	v1 =	vsel vm13, $0xE82, v1;
	v3 =	vand.u32 $0xFFFFFC00, v37  }
0x7c: {  	v38 =	vor.u32 $0x1800, v19;
	v1 =	vsel vm14, $0xE83, v1;
	v2 =	vor.u32 v2, v3  }
0x7d: {  	v1 =	vsel vm0, $0xF00, v1;
	v2 =	vadd.s32 v38, v2  }
0x7e: {  	v1 =	vsel vm1, $0xF01, v1  }
0x7f: {  	v1 =	vsel vm2, $0xF02, v1  }
0x80: {  	v1 =	vsel vm3, $0xF03, v1  }
0x81: {  	v1 =	vsel vm4, $0xF80, v1  }
0x82: {  	v1 =	vsel vm5, $0xF81, v1;
	v2 =	vld.idx.msk [tilespmem:v2+s3+$0x0], $0xffff  }
0x83: {  	v1 =	vsel vm6, $0xF82, v1;
	_ =	sdelay $0x3  }
0x84: {  	v39 =	vimm.s32 $0x1183;
	[tilespmem:$0x6060] =	vst v2  }
0x85: {  	v2 =	vsel vm7, $0x1000, v39;
	v1 =	vld.idx.msk [tilespmem:v1+s23+$0x0], $0xffff  }
0x86: {  	v2 =	vsel vm8, $0x1001, v2  }
0x87: {  	v2 =	vsel vm9, $0x1002, v2  }
0x88: {  	v2 =	vsel vm10, $0x1003, v2  }
0x89: {  	v2 =	vsel vm11, $0x1080, v2  }
0x8a: {  	v2 =	vsel vm12, $0x1081, v2;
	v40 =	vshll.u32 v1, $0x3  }
0x8b: {  	v1 =	vand.u32 $0x7F, v1;
	v2 =	vsel vm13, $0x1082, v2;
	v3 =	vand.u32 $0xFFFFFC00, v40  }
0x8c: {  	v41 =	vor.u32 $0x1A00, v19;
	v2 =	vsel vm14, $0x1083, v2;
	v1 =	vor.u32 v1, v3  }
0x8d: {  	v2 =	vsel vm0, $0x1100, v2;
	v1 =	vadd.s32 v41, v1  }
0x8e: {  	v2 =	vsel vm1, $0x1101, v2  }
0x8f: {  	v2 =	vsel vm2, $0x1102, v2  }
0x90: {  	v2 =	vsel vm3, $0x1103, v2  }
0x91: {  	v2 =	vsel vm4, $0x1180, v2  }
0x92: {  	v2 =	vsel vm5, $0x1181, v2;
	v1 =	vld.idx.msk [tilespmem:v1+s3+$0x0], $0xffff  }
0x93: {  	v2 =	vsel vm6, $0x1182, v2;
	_ =	sdelay $0x3  }
0x94: {  	v42 =	vimm.s32 $0x1383;
	[tilespmem:$0x6070] =	vst v1  }
0x95: {  	v1 =	vsel vm7, $0x1200, v42;
	v2 =	vld.idx.msk [tilespmem:v2+s23+$0x0], $0xffff  }
0x96: {  	v1 =	vsel vm8, $0x1201, v1  }
0x97: {  	v1 =	vsel vm9, $0x1202, v1  }
0x98: {  	v1 =	vsel vm10, $0x1203, v1  }
0x99: {  	v1 =	vsel vm11, $0x1280, v1  }
0x9a: {  	v1 =	vsel vm12, $0x1281, v1;
	v43 =	vshll.u32 v2, $0x3  }
0x9b: {  	v2 =	vand.u32 $0x7F, v2;
	v1 =	vsel vm13, $0x1282, v1;
	v3 =	vand.u32 $0xFFFFFC00, v43  }
0x9c: {  	v44 =	vor.u32 $0x2000, v19;
	v1 =	vsel vm14, $0x1283, v1;
	v2 =	vor.u32 v2, v3  }
0x9d: {  	v1 =	vsel vm0, $0x1300, v1;
	v2 =	vadd.s32 v44, v2  }
0x9e: {  	v1 =	vsel vm1, $0x1301, v1  }
0x9f: {  	v1 =	vsel vm2, $0x1302, v1  }
0xa0: {  	v1 =	vsel vm3, $0x1303, v1  }
0xa1: {  	v1 =	vsel vm4, $0x1380, v1  }
0xa2: {  	v1 =	vsel vm5, $0x1381, v1;
	v2 =	vld.idx.msk [tilespmem:v2+s3+$0x0], $0xffff  }
0xa3: {  	v1 =	vsel vm6, $0x1382, v1;
	_ =	sdelay $0x3  }
0xa4: {  	v45 =	vimm.s32 $0x1583;
	[tilespmem:$0x6080] =	vst v2  }
0xa5: {  	v2 =	vsel vm7, $0x1400, v45;
	v1 =	vld.idx.msk [tilespmem:v1+s23+$0x0], $0xffff  }
0xa6: {  	v2 =	vsel vm8, $0x1401, v2  }
0xa7: {  	v2 =	vsel vm9, $0x1402, v2  }
0xa8: {  	v2 =	vsel vm10, $0x1403, v2  }
0xa9: {  	v2 =	vsel vm11, $0x1480, v2  }
0xaa: {  	v2 =	vsel vm12, $0x1481, v2;
	v46 =	vshll.u32 v1, $0x3  }
0xab: {  	v1 =	vand.u32 $0x7F, v1;
	v2 =	vsel vm13, $0x1482, v2;
	v3 =	vand.u32 $0xFFFFFC00, v46  }
0xac: {  	v47 =	vor.u32 $0x2200, v19;
	v2 =	vsel vm14, $0x1483, v2;
	v1 =	vor.u32 v1, v3  }
0xad: {  	v2 =	vsel vm0, $0x1500, v2;
	v1 =	vadd.s32 v47, v1  }
0xae: {  	v2 =	vsel vm1, $0x1501, v2  }
0xaf: {  	v2 =	vsel vm2, $0x1502, v2  }
0xb0: {  	v2 =	vsel vm3, $0x1503, v2  }
0xb1: {  	v2 =	vsel vm4, $0x1580, v2  }
0xb2: {  	v2 =	vsel vm5, $0x1581, v2;
	v1 =	vld.idx.msk [tilespmem:v1+s3+$0x0], $0xffff  }
0xb3: {  	v2 =	vsel vm6, $0x1582, v2;
	_ =	sdelay $0x3  }
0xb4: {  	v48 =	vimm.s32 $0x1783;
	[tilespmem:$0x6090] =	vst v1  }
0xb5: {  	v1 =	vsel vm7, $0x1600, v48;
	v2 =	vld.idx.msk [tilespmem:v2+s23+$0x0], $0xffff  }
0xb6: {  	v1 =	vsel vm8, $0x1601, v1  }
0xb7: {  	v1 =	vsel vm9, $0x1602, v1  }
0xb8: {  	v1 =	vsel vm10, $0x1603, v1  }
0xb9: {  	v1 =	vsel vm11, $0x1680, v1  }
0xba: {  	v1 =	vsel vm12, $0x1681, v1;
	v49 =	vshll.u32 v2, $0x3  }
0xbb: {  	v2 =	vand.u32 $0x7F, v2;
	v1 =	vsel vm13, $0x1682, v1;
	v3 =	vand.u32 $0xFFFFFC00, v49  }
0xbc: {  	v50 =	vor.u32 $0x2800, v19;
	v1 =	vsel vm14, $0x1683, v1;
	v2 =	vor.u32 v2, v3  }
0xbd: {  	v1 =	vsel vm0, $0x1700, v1;
	v2 =	vadd.s32 v50, v2  }
0xbe: {  	v1 =	vsel vm1, $0x1701, v1  }
0xbf: {  	v1 =	vsel vm2, $0x1702, v1  }
0xc0: {  	v1 =	vsel vm3, $0x1703, v1  }
0xc1: {  	v1 =	vsel vm4, $0x1780, v1  }
0xc2: {  	v1 =	vsel vm5, $0x1781, v1;
	v2 =	vld.idx.msk [tilespmem:v2+s3+$0x0], $0xffff  }
0xc3: {  	v1 =	vsel vm6, $0x1782, v1;
	_ =	sdelay $0x3  }
0xc4: {  	v51 =	vimm.s32 $0x1983;
	[tilespmem:$0x60A0] =	vst v2  }
0xc5: {  	v2 =	vsel vm7, $0x1800, v51;
	v1 =	vld.idx.msk [tilespmem:v1+s23+$0x0], $0xffff  }
0xc6: {  	v2 =	vsel vm8, $0x1801, v2  }
0xc7: {  	v2 =	vsel vm9, $0x1802, v2  }
0xc8: {  	v2 =	vsel vm10, $0x1803, v2  }
0xc9: {  	v2 =	vsel vm11, $0x1880, v2  }
0xca: {  	v2 =	vsel vm12, $0x1881, v2;
	v52 =	vshll.u32 v1, $0x3  }
0xcb: {  	v1 =	vand.u32 $0x7F, v1;
	v2 =	vsel vm13, $0x1882, v2;
	v3 =	vand.u32 $0xFFFFFC00, v52  }
0xcc: {  	v53 =	vor.u32 $0x2A00, v19;
	v2 =	vsel vm14, $0x1883, v2;
	v1 =	vor.u32 v1, v3  }
0xcd: {  	v2 =	vsel vm0, $0x1900, v2;
	v1 =	vadd.s32 v53, v1  }
0xce: {  	v2 =	vsel vm1, $0x1901, v2  }
0xcf: {  	v2 =	vsel vm2, $0x1902, v2  }
0xd0: {  	v2 =	vsel vm3, $0x1903, v2  }
0xd1: {  	v2 =	vsel vm4, $0x1980, v2  }
0xd2: {  	v2 =	vsel vm5, $0x1981, v2;
	v1 =	vld.idx.msk [tilespmem:v1+s3+$0x0], $0xffff  }
0xd3: {  	v2 =	vsel vm6, $0x1982, v2;
	_ =	sdelay $0x3  }
0xd4: {  	v54 =	vimm.s32 $0x1B83;
	[tilespmem:$0x60B0] =	vst v1  }
0xd5: {  	v1 =	vsel vm7, $0x1A00, v54;
	v2 =	vld.idx.msk [tilespmem:v2+s23+$0x0], $0xffff  }
0xd6: {  	v1 =	vsel vm8, $0x1A01, v1  }
0xd7: {  	v1 =	vsel vm9, $0x1A02, v1  }
0xd8: {  	v1 =	vsel vm10, $0x1A03, v1  }
0xd9: {  	v1 =	vsel vm11, $0x1A80, v1  }
0xda: {  	v1 =	vsel vm12, $0x1A81, v1;
	v55 =	vshll.u32 v2, $0x3  }
0xdb: {  	v2 =	vand.u32 $0x7F, v2;
	v1 =	vsel vm13, $0x1A82, v1;
	v3 =	vand.u32 $0xFFFFFC00, v55  }
0xdc: {  	v56 =	vor.u32 $0x3000, v19;
	v1 =	vsel vm14, $0x1A83, v1;
	v2 =	vor.u32 v2, v3  }
0xdd: {  	v1 =	vsel vm0, $0x1B00, v1;
	v2 =	vadd.s32 v56, v2  }
0xde: {  	v1 =	vsel vm1, $0x1B01, v1  }
0xdf: {  	v1 =	vsel vm2, $0x1B02, v1  }
0xe0: {  	v1 =	vsel vm3, $0x1B03, v1  }
0xe1: {  	v1 =	vsel vm4, $0x1B80, v1  }
0xe2: {  	v1 =	vsel vm5, $0x1B81, v1;
	v2 =	vld.idx.msk [tilespmem:v2+s3+$0x0], $0xffff  }
0xe3: {  	v1 =	vsel vm6, $0x1B82, v1;
	_ =	sdelay $0x3  }
0xe4: {  	v57 =	vimm.s32 $0x1D83;
	[tilespmem:$0x60C0] =	vst v2  }
0xe5: {  	v2 =	vsel vm7, $0x1C00, v57;
	v1 =	vld.idx.msk [tilespmem:v1+s23+$0x0], $0xffff  }
0xe6: {  	v2 =	vsel vm8, $0x1C01, v2  }
0xe7: {  	v2 =	vsel vm9, $0x1C02, v2  }
0xe8: {  	v2 =	vsel vm10, $0x1C03, v2  }
0xe9: {  	v2 =	vsel vm11, $0x1C80, v2  }
0xea: {  	v2 =	vsel vm12, $0x1C81, v2;
	v58 =	vshll.u32 v1, $0x3  }
0xeb: {  	v1 =	vand.u32 $0x7F, v1;
	v2 =	vsel vm13, $0x1C82, v2;
	v3 =	vand.u32 $0xFFFFFC00, v58  }
0xec: {  	v59 =	vor.u32 $0x3200, v19;
	v2 =	vsel vm14, $0x1C83, v2;
	v1 =	vor.u32 v1, v3  }
0xed: {  	v2 =	vsel vm0, $0x1D00, v2;
	v1 =	vadd.s32 v59, v1  }
0xee: {  	v2 =	vsel vm1, $0x1D01, v2  }
0xef: {  	v2 =	vsel vm2, $0x1D02, v2  }
0xf0: {  	v2 =	vsel vm3, $0x1D03, v2  }
0xf1: {  	v2 =	vsel vm4, $0x1D80, v2  }
0xf2: {  	v2 =	vsel vm5, $0x1D81, v2;
	v1 =	vld.idx.msk [tilespmem:v1+s3+$0x0], $0xffff  }
0xf3: {  	v2 =	vsel vm6, $0x1D82, v2;
	_ =	sdelay $0x3  }
0xf4: {  	v60 =	vimm.s32 $0x1F83;
	[tilespmem:$0x60D0] =	vst v1  }
0xf5: {  	v1 =	vsel vm7, $0x1E00, v60;
	v2 =	vld.idx.msk [tilespmem:v2+s23+$0x0], $0xffff  }
0xf6: {  	v1 =	vsel vm8, $0x1E01, v1  }
0xf7: {  	v1 =	vsel vm9, $0x1E02, v1  }
0xf8: {  	v1 =	vsel vm10, $0x1E03, v1  }
0xf9: {  	v1 =	vsel vm11, $0x1E80, v1  }
0xfa: {  	v1 =	vsel vm12, $0x1E81, v1;
	v61 =	vshll.u32 v2, $0x3  }
0xfb: {  	v2 =	vand.u32 $0x7F, v2;
	v1 =	vsel vm13, $0x1E82, v1;
	v3 =	vand.u32 $0xFFFFFC00, v61  }
0xfc: {  	v62 =	vor.u32 $0x3800, v19;
	v1 =	vsel vm14, $0x1E83, v1;
	v2 =	vor.u32 v2, v3  }
0xfd: {  	v1 =	vsel vm0, $0x1F00, v1;
	v2 =	vadd.s32 v62, v2  }
0xfe: {  	v1 =	vsel vm1, $0x1F01, v1  }
0xff: {  	v1 =	vsel vm2, $0x1F02, v1  }
0x100: {  	v1 =	vsel vm3, $0x1F03, v1  }
0x101: {  	v1 =	vsel vm4, $0x1F80, v1  }
0x102: {  	v1 =	vsel vm5, $0x1F81, v1;
	v2 =	vld.idx.msk [tilespmem:v2+s3+$0x0], $0xffff  }
0x103: {  	v1 =	vsel vm6, $0x1F82, v1;
	_ =	sdelay $0x3  }
0x104: {  	[tilespmem:$0x60E0] =	vst v2  }
0x105: {  	v1 =	vld.idx.msk [tilespmem:v1+s23+$0x0], $0xffff;
	_ =	sdelay $0x4  }
0x106: {  	v63 =	vshll.u32 v1, $0x3  }
0x107: {  	v1 =	vand.u32 $0x7F, v1;
	v2 =	vand.u32 $0xFFFFFC00, v63  }
0x108: {  	v0 =	vor.u32 $0x3A00, v19;
	v1 =	vor.u32 v1, v2  }
0x109: {  	v0 =	vadd.s32 v0, v1;
	_ =	sdelay $0x4  }
0x10a: {  	v0 =	vld.idx.msk [tilespmem:v0+s3+$0x0], $0xffff;
	_ =	sdelay $0x1  }
0x10b: {  	s26 =	sshll.u32 s1, $0x4  }
0x10c: {  	s28 =	sshll.u32 s1, $0x5;
	s3 =	sand.u32 $0x70, s26  }
0x10d: {  	s29 =	simm.s32 $0x80;
	s5 =	sand.u32 $0x100, s28;
	s2 =	sadd.s32 s2, s3  }
0x10e: {  	s30 =	simm.s32 $0x400;
	s31 =	simm.s32 $0x6000;
	s2 =	sadd.s32 s5, s2;
	[tilespmem:$0x60F0] =	vst v0  }
0x10f: {  	[hbm4b:s2+s29] =	stream.strided.scatter [tilespmem:s31], [sflag:$0x1], $0x100, s30, s29, $0x38;
	[tilespmem:$0x6100] =	vst v63  }
0x110: {  	_ =	swait.ge [sflag:s24], $0x100  }
0x111: {  	[sflag:s24] =	ssyncset.done $0x0  }
0x112: {  	[sflag:s24] =	ssyncadd.s32 $0xFFFFFF00  }
0x113: {  	_ =	sfence.sel $0x180000  }
0x114: {  	[bflag:$0x0] =	sbarrier.arrive $0xFFFF  }
0x115: {  	p0 =	sne.s32 s1, $0x0;
	_ =	strace $0x90000047  }
0x116: {  	s0 =	sadd.s32 @!p0 $0x100000, s0;
	[bflag:$0x2] =	sbarrier.arrive $0xFFFF  }
0x117: {  	[sflag:s0] =	ssyncadd.tile.s32 @!p0 $0x1;
	_ =	shalt  }
.Lfunc_end2:
_tile_overlayer_lowered:
.L_overlay_start_2:
0x118: {  	(tag) =	ssettag $0x2  }
0x119: {  	s0 =	rddreg [dreg:$0x0];
	s2 =	stileid.u32  }
0x11a: {  	s1 =	rddreg [dreg:$0x1];
	p0 =	sne.s32 s2, $0x0  }
0x11b: {  	s3 =	rddreg [dreg:$0x2];
	[bflag:$0x3] =	sbarrier.arrive $0xFFFF;
	s2 =	simm.s32 @!p0 $0x1C03  }
0x11c: {  	[timem:s3], [sflag:s2] =	dma.local @!p0 [hbm:s0], s1  }
0x11d: {  	s0 =	simm.s32 @!p0 $0x3  }
0x11e: {  	_ =	swait.ge @!p0 [sflag:s0], s1  }
0x11f: {  	s1 =	ssub.s32 @!p0 $0x0, s1;
	[sflag:s0] =	ssyncset.done @!p0 $0x0  }
0x120: {  	[sflag:s0] =	ssyncadd.s32 @!p0 s1  }
0x121: {  	[bflag:$0x3] =	sbarrier.arrive $0xFFFF  }
0x122: {  	_ =	shalt  }

</sc_bundles>
